<compile_context>
chip_gen: v7x
topology: tpu7x:2x2x1
jax: 0.10.2.dev20260603
libtpu: 0.0.44.dev20260713+nightly
codegen_flags: <defaults>
</compile_context>

<pallas_src>
import functools
import math

import jax
import jax.numpy as jnp
from jax import lax
from jax.experimental import pallas as pl
from jax.experimental.pallas import tpu as pltpu
from jax.experimental.pallas import tpu_sc as plsc

NX, NY = 20, 20
X0, X1 = 0.0, 10.0
Y0, Y1 = -3.14, 3.14
DXB = (X1 - X0) / NX
DYB = (Y1 - Y0) / NY

N_NODE = 2048
FDIM = 16
DEG = 4
N_EDGE = N_NODE * DEG
NPTS = 1000
NPAD = 1024
NBIN = NX * NY
DCOL = 512

SC_NW = 32
SC_BPW = N_EDGE // SC_NW
SC_CH = 128
SC_NCHUNK = SC_BPW // SC_CH

BN_MAIN = 8
BN_HIST = 16


def _hist_body(pos_ref, pts_ref, out_ref):
    px = pts_ref[0, :]
    py = pts_ref[1, :]
    r = pos_ref[:, 0:1]
    a = pos_ref[:, 1:2]
    x = r + px[None, :]
    y = a + py[None, :]
    valid = ((x >= X0) & (x <= X1) & (y >= Y0) & (y <= Y1))
    w = valid.astype(jnp.float32)
    ix = jnp.clip(jnp.floor((x - X0) / DXB).astype(jnp.int32), 0, NX - 1)
    iy = jnp.clip(jnp.floor((y - Y0) / DYB).astype(jnp.int32), 0, NY - 1)
    bx = lax.broadcasted_iota(jnp.int32, (BN_HIST, NX, NPAD), 1)
    by = lax.broadcasted_iota(jnp.int32, (BN_HIST, NPAD, NY), 2)
    ox = jnp.where(ix[:, None, :] == bx, w[:, None, :], 0.0)
    oy = jnp.where(iy[:, :, None] == by, 1.0, 0.0)
    s = jnp.sum(w, axis=1)
    for i in range(BN_HIST):
        counts = lax.dot_general(ox[i], oy[i], (((1,), (0,)), ((), ())),
                                 preferred_element_type=jnp.float32)
        out_ref[i] = counts / (s[i] * DXB * DYB)


def _hist_nodes(pos, pts):
    hn = pl.pallas_call(
        _hist_body,
        grid=(N_NODE // BN_HIST,),
        in_specs=[
            pl.BlockSpec((BN_HIST, 2), lambda i: (i, 0)),
            pl.BlockSpec((2, NPAD), lambda i: (0, 0)),
        ],
        out_specs=pl.BlockSpec((BN_HIST, NX, NY), lambda i: (i, 0, 0)),
        out_shape=jax.ShapeDtypeStruct((N_NODE, NX, NY), jnp.float32),
    )(pos, pts)
    return hn.reshape(N_NODE, NBIN)


@functools.lru_cache(maxsize=1)
def _get_sc_gather():
    mesh = plsc.VectorSubcoreMesh(core_axis_name="c", subcore_axis_name="s")

    @functools.partial(
        pl.kernel, mesh=mesh,
        out_type=jax.ShapeDtypeStruct((N_EDGE, DCOL), jnp.float32),
        scratch_types=[
            pltpu.VMEM((SC_NCHUNK, SC_CH), jnp.int32),
            pltpu.VMEM((SC_CH, DCOL), jnp.float32),
            pltpu.SemaphoreType.DMA,
        ],
    )
    def sc_gather(table_hbm, idx_hbm, out_hbm, idx_v, rows_v, sem):
        wid = lax.axis_index("s") * 2 + lax.axis_index("c")
        pltpu.sync_copy(idx_hbm.at[wid], idx_v)
        base = wid * SC_BPW
        for j in range(SC_NCHUNK):
            pltpu.async_copy(table_hbm.at[idx_v.at[j]], rows_v, sem).wait()
            pltpu.sync_copy(rows_v, out_hbm.at[pl.ds(base + j * SC_CH, SC_CH)])

    return sc_gather


def _gather_rows(table, idx3):
    return _get_sc_gather()(table, idx3)


def _main_body(g_ref, data_ref, w1_ref, be_ref, ww_ref, msk_ref, sel_ref,
               cl_ref, out_ref, carry_ref, comp_ref):
    @pl.when(pl.program_id(0) == 0)
    def _init():
        carry_ref[...] = jnp.zeros((FDIM, NBIN), jnp.float32)
        comp_ref[...] = jnp.zeros((FDIM, NBIN), jnp.float32)

    g = g_ref[...]
    hd = g[:, :NBIN].reshape(BN_MAIN, DEG, NBIN)
    ddst = g[:, NBIN:NBIN + FDIM].reshape(BN_MAIN, DEG, FDIM)
    diff = data_ref[...][:, None, :] - ddst
    s_nodes = jnp.sum(diff[:, :, :, None] * hd[:, :, None, :], axis=1)
    acc = carry_ref[...]
    comp = comp_ref[...]
    rows = []
    for m in range(BN_MAIN):
        rows.append(jnp.transpose(acc))
        y = s_nodes[m] - comp
        tsum = acc + y
        comp = (tsum - acc) - y
        acc = tsum
    carry_ref[...] = acc
    comp_ref[...] = comp
    dxb = jnp.stack(rows, axis=0).reshape(BN_MAIN, NX, NY, FDIM)
    cols = []
    for u in range(5):
        for v in range(5):
            cols.append(dxb[:, u:u + 16, v:v + 16, :].reshape(BN_MAIN, 256, FDIM))
    xmat = jnp.concatenate(cols, axis=2).reshape(BN_MAIN * 256, 400)
    z1 = jnp.tanh(
        lax.dot_general(xmat, w1_ref[...], (((1,), (0,)), ((), ())),
                        preferred_element_type=jnp.float32)
        + be_ref[0, :][None, :])
    z3 = z1.reshape(BN_MAIN, 256, 15)
    ww = ww_ref[...]
    msk = msk_ref[...]
    sel = sel_ref[...]
    rows_out = []
    for m in range(BN_MAIN):
        q = lax.dot_general(z3[m], ww, (((0,), (0,)), ((), ())),
                                preferred_element_type=jnp.float32)
        om = lax.dot_general(q * msk, sel, (((1,), (0,)), ((), ())),
                                  preferred_element_type=jnp.float32)
        rows_out.append(jnp.sum(om, axis=0))
    out_ref[...] = jnp.stack(rows_out, axis=0) + cl_ref[0, :][None, :]


def _compose_head(W2, b2, W3, b3, W4, b4, Wl, bl):
    dn = ("NCHW", "OIHW", "NCHW")
    k43 = lax.conv_general_dilated(
        W3.transpose(1, 0, 2, 3), W4[:, :, ::-1, ::-1], (1, 1),
        [(4, 4), (4, 4)], dimension_numbers=dn).transpose(1, 0, 2, 3)
    k432 = lax.conv_general_dilated(
        W2.transpose(1, 0, 2, 3), k43[:, :, ::-1, ::-1], (1, 1),
        [(8, 8), (8, 8)], dimension_numbers=dn).transpose(1, 0, 2, 3)
    w4s = jnp.sum(W4, axis=(2, 3))
    k43s = jnp.sum(k43, axis=(2, 3))
    const4 = b4 + w4s @ b3 + k43s @ b2
    kpad = jnp.pad(k432[0], ((0, 0), (0, 3), (0, 3)))
    ww = jnp.zeros((8, 15, 16, 16), jnp.float32)
    for x in range(4):
        for y in range(4):
            ww = ww + (Wl[:, 4 * x + y][:, None, None, None]
                       * jnp.roll(kpad, (x, y), axis=(1, 2))[None])
    wwmat = ww.transpose(2, 3, 1, 0).reshape(256, 120)
    cl = bl + const4[0] * jnp.sum(Wl, axis=1)
    return wwmat, cl


def kernel(t, data, edges, pos, W1, b1, W2, b2, W3, b3, W4, b4, Wl, bl):
    pn = jax.random.normal(jax.random.key(42), (NPTS, 2), dtype=jnp.float32)
    px = jnp.concatenate([pn[:, 0] * jnp.sqrt(5.0),
                          jnp.full((NPAD - NPTS,), 1e9, jnp.float32)])
    py = jnp.concatenate([pn[:, 1] + 1.0,
                          jnp.zeros((NPAD - NPTS,), jnp.float32)])
    pts = jnp.stack([px, py], axis=0)
    hn = _hist_nodes(pos, pts)
    table = jnp.concatenate(
        [hn, data,
         jnp.zeros((N_NODE, DCOL - NBIN - FDIM), jnp.float32)], axis=1)

    idx3 = edges[1].reshape(SC_NW, SC_NCHUNK, SC_CH)
    g = _gather_rows(table, idx3)

    w1mat = W1[:, 1:, :, :].transpose(2, 3, 1, 0).reshape(400, 15)
    bias_eff = (b1 + t[0] * jnp.sum(W1[:, 0, :, :], axis=(1, 2)))[None, :]
    wwmat, cl = _compose_head(W2, b2, W3, b3, W4, b4, Wl, bl)
    oo = jnp.arange(15, dtype=jnp.int32)
    jj = jnp.arange(120, dtype=jnp.int32)
    msk = (jj[None, :] // 8 == oo[:, None]).astype(jnp.float32)
    sel = jnp.tile(jnp.eye(8, dtype=jnp.float32), (15, 1))

    out = pl.pallas_call(
        _main_body,
        grid=(N_NODE // BN_MAIN,),
        in_specs=[
            pl.BlockSpec((BN_MAIN * DEG, DCOL), lambda i: (i, 0)),
            pl.BlockSpec((BN_MAIN, FDIM), lambda i: (i, 0)),
            pl.BlockSpec((400, 15), lambda i: (0, 0)),
            pl.BlockSpec((1, 15), lambda i: (0, 0)),
            pl.BlockSpec((256, 120), lambda i: (0, 0)),
            pl.BlockSpec((15, 120), lambda i: (0, 0)),
            pl.BlockSpec((120, 8), lambda i: (0, 0)),
            pl.BlockSpec((1, 8), lambda i: (0, 0)),
        ],
        out_specs=pl.BlockSpec((BN_MAIN, 8), lambda i: (i, 0)),
        out_shape=jax.ShapeDtypeStruct((N_NODE, 8), jnp.float32),
        scratch_shapes=[pltpu.VMEM((FDIM, NBIN), jnp.float32),
                        pltpu.VMEM((FDIM, NBIN), jnp.float32)],
    )(g, data, w1mat, bias_eff, wwmat, msk, sel, cl[None, :])
    return out

# --- scband reference (transcript-rebuilt; emitter-appended) ---
"""Pipeline reference for scband-graph-flow-polar-cnn-v2-22471268892735 (READ-ONLY COPY).

The authoritative reference and input builder live on the scoring server;
editing this copy changes nothing except your own understanding.
"""

import jax, jax.numpy as jnp
import numpy as np

NX, NY = 20, 20
X0, X1 = 0.0, 10.0
Y0, Y1 = -3.14, 3.14
DXB = (X1 - X0) / NX
DYB = (Y1 - Y0) / NY


def _hist2d_density(x, y):
    # matches np.histogram2d(..., bins=(20,20), range=[[0,10],[-3.14,3.14]], density=True)
    ix = jnp.clip(jnp.floor((x - X0) / DXB).astype(jnp.int32), 0, NX - 1)
    iy = jnp.clip(jnp.floor((y - Y0) / DYB).astype(jnp.int32), 0, NY - 1)
    valid = (x >= X0) & (x <= X1) & (y >= Y0) & (y <= Y1)
    w = valid.astype(jnp.float32)
    counts = jnp.zeros(NX * NY, jnp.float32).at[ix * NY + iy].add(w).reshape(NX, NY)
    s = counts.sum()
    return counts / (s * DXB * DYB)


def _conv(x, W, b):
    y = jax.lax.conv_general_dilated(x, W, (1, 1), 'VALID', dimension_numbers=('NCHW', 'OIHW', 'NCHW'))
    return y + b[None, :, None, None]


def _sample_points():
    # MVN(mean=[0,1], cov=[[5,0],[0,1]]), 1000 samples, fixed key
    pn = jax.random.normal(jax.random.key(42), (1000, 2), dtype=jnp.float32)
    return jnp.stack([pn[:, 0] * jnp.sqrt(5.0), pn[:, 1] + 1.0], axis=1)


def setup_inputs(seed: int = 0):
    key = jax.random.key(seed)
    ks = jax.random.split(key, 12)
    N, F, DEG, C_OUT = 2048, 16, 4, 8
    E = N * DEG
    t = jax.random.uniform(ks[0], (1,), dtype=jnp.float32)
    data = jax.random.normal(ks[1], (N, F), dtype=jnp.float32)
    src = jnp.repeat(jnp.arange(N, dtype=jnp.int32), DEG)  # sorted, covers every node
    dst = jax.random.randint(ks[2], (E,), 0, N, dtype=jnp.int32)
    edges = jnp.stack([src, dst], axis=0)
    pos = jax.random.uniform(ks[3], (N, 2), dtype=jnp.float32)
    W1 = jax.random.normal(ks[4], (15, F + 1, 5, 5), jnp.float32) * 0.05
    b1 = jnp.zeros(15, jnp.float32)
    W2 = jax.random.normal(ks[5], (10, 15, 5, 5), jnp.float32) * 0.05
    b2 = jnp.zeros(10, jnp.float32)
    W3 = jax.random.normal(ks[6], (5, 10, 5, 5), jnp.float32) * 0.05
    b3 = jnp.zeros(5, jnp.float32)
    W4 = jax.random.normal(ks[7], (1, 5, 5, 5), jnp.float32) * 0.05
    b4 = jnp.zeros(1, jnp.float32)
    Wl = jax.random.normal(ks[8], (C_OUT, 16), jnp.float32) * 0.1
    bl = jnp.zeros(C_OUT, jnp.float32)
    return {"t": t, "data": data, "edges": edges, "pos": pos, "W1": W1, "b1": b1, "W2": W2, "b2": b2, "W3": W3, "b3": b3, "W4": W4, "b4": b4, "Wl": Wl, "bl": bl}


def reference(t, data, edges, pos, W1, b1, W2, b2, W3, b3, W4, b4, Wl, bl):
    src, dst = edges[0], edges[1]
    polar_r, polar_angle = pos[:, 0], pos[:, 1]
    Points = _sample_points()
    x_temp = polar_r[dst][:, None] + Points[None, :, 0]  # [E, 1000]
    y_temp = polar_angle[dst][:, None] + Points[None, :, 1]
    H = jax.vmap(_hist2d_density)(x_temp, y_temp)  # [E, 20, 20]
    diff = data[src] - data[dst]  # [E, F]
    # per-edge plane stack (hist identical across channels in original loop)
    planes = diff[:, :, None, None] * H[:, None, :, :]  # [E, F, 20, 20]
    cum = jnp.cumsum(planes, axis=0)  # accumulator is never reset in original
    E = src.shape[0]
    Nn = data.shape[0]
    n_bounds = Nn - 1  # src = repeat(arange(N), DEG) is sorted covering every node
    b_idx = jnp.nonzero((src[1:] - src[:-1]) > 0, size=n_bounds)[0]
    Fdim = data.shape[1]
    parts = [jnp.zeros((1, Fdim, NX, NY), jnp.float32)]
    if n_bounds > 0:
        parts.append(cum[b_idx])
    parts.append(cum[E - 1:E])
    final = jnp.concatenate(parts, axis=0)
    dx = final[:data.shape[0]]
    tt = jnp.ones_like(dx[:, :1, :, :]) * t
    dx = jnp.concatenate([tt, dx], axis=1)
    dx = jnp.tanh(_conv(dx, W1, b1))  # activation only after layer 0
    dx = _conv(dx, W2, b2)
    dx = _conv(dx, W3, b3)
    dx = _conv(dx, W4, b4)
    dx = dx.reshape(dx.shape[0], -1)
    return dx @ Wl.T + bl

if __name__ == "__main__":
    import jax
    _d = setup_inputs()
    print(jax.jit(kernel)(*tuple(_d.values())))

</pallas_src>

<mosaic_0001>
#map = affine_map<(d0, d1) -> (0, 0)>
#map1 = affine_map<(d0, d1) -> (0, 0, 0)>
module attributes {stable_mosaic.version = 14 : i64} {
  func.func @sc_gather(%arg0: i32, %arg1: i32, %arg2: memref<2048x512xf32, #tpu.memory_space<hbm>>, %arg3: memref<32x2x128xi32, #tpu.memory_space<hbm>>, %arg4: memref<8192x512xf32, #tpu.memory_space<hbm>>, %arg5: memref<2x128xi32, #tpu.memory_space<vmem>>, %arg6: memref<128x512xf32, #tpu.memory_space<vmem>>, %arg7: memref<!tpu.dma_semaphore, #tpu.memory_space<semaphore_mem>>) attributes {dimension_semantics = [#tpu.dimension_semantics<core_parallel>, #tpu.dimension_semantics<subcore_parallel>], iteration_bounds = array<i64: 2, 16>, scalar_prefetch = 0 : i64, scratch_operands = 3 : i64, tpu.core_type = #tpu.core_type<sc_vector_subcore>, window_params = [{transform_indices = #map}, {transform_indices = #map1}, {transform_indices = #map}]} {
    %mul3A = arith.constant 2 : i32
    %mul3A_0 = arith.muli %arg1, %mul3A : i32
    %add3A = arith.addi %mul3A_0, %arg0 : i32
    "tpu.region"() ({
      %run_scoped3A = tpu.sem_alloc : memref<!tpu.dma_semaphore, #tpu.memory_space<semaphore_mem>>
      %dma_start3A_33 = arith.constant 0 : i32
      %dma_start3A_34 = arith.constant 0 : i32
      %dma_start3A_35 = tpu.memref_slice %arg3[%add3A, %dma_start3A_33, %dma_start3A_34] : memref<32x2x128xi32, #tpu.memory_space<hbm>> -> memref<1x2x128xi32, #tpu.memory_space<hbm>>
      %dma_start3A_36 = tpu.memref_squeeze %dma_start3A_35 : memref<1x2x128xi32, #tpu.memory_space<hbm>> -> memref<2x128xi32, #tpu.memory_space<hbm>>
      %dma_start3A_37 = arith.constant 0 : i32
      %dma_start3A_38 = arith.constant 0 : i32
      %dma_start3A_39 = tpu.memref_slice %arg3[%add3A, %dma_start3A_37, %dma_start3A_38] : memref<32x2x128xi32, #tpu.memory_space<hbm>> -> memref<1x2x128xi32, #tpu.memory_space<hbm>>
      %dma_start3A_40 = tpu.memref_squeeze %dma_start3A_39 : memref<1x2x128xi32, #tpu.memory_space<hbm>> -> memref<2x128xi32, #tpu.memory_space<hbm>>
      tpu.enqueue_dma source(%dma_start3A_40 : memref<2x128xi32, #tpu.memory_space<hbm>>) target(%arg5 : memref<2x128xi32, #tpu.memory_space<vmem>>) target_semaphore(%run_scoped3A : memref<!tpu.dma_semaphore, #tpu.memory_space<semaphore_mem>>)
      %dma_wait3A_41 = arith.constant 0 : i32
      %dma_wait3A_42 = arith.constant 0 : i32
      %dma_wait3A_43 = tpu.memref_slice %arg3[%add3A, %dma_wait3A_41, %dma_wait3A_42] : memref<32x2x128xi32, #tpu.memory_space<hbm>> -> memref<1x2x128xi32, #tpu.memory_space<hbm>>
      %dma_wait3A_44 = tpu.memref_squeeze %dma_wait3A_43 : memref<1x2x128xi32, #tpu.memory_space<hbm>> -> memref<2x128xi32, #tpu.memory_space<hbm>>
      %dma_wait3A_45 = arith.constant 0 : i32
      %dma_wait3A_46 = arith.constant 0 : i32
      %dma_wait3A_47 = tpu.memref_slice %arg3[%add3A, %dma_wait3A_45, %dma_wait3A_46] : memref<32x2x128xi32, #tpu.memory_space<hbm>> -> memref<1x2x128xi32, #tpu.memory_space<hbm>>
      %dma_wait3A_48 = tpu.memref_squeeze %dma_wait3A_47 : memref<1x2x128xi32, #tpu.memory_space<hbm>> -> memref<2x128xi32, #tpu.memory_space<hbm>>
      tpu.wait_dma2 semaphore(%run_scoped3A : memref<!tpu.dma_semaphore, #tpu.memory_space<semaphore_mem>>) src(%dma_wait3A_48 : memref<2x128xi32, #tpu.memory_space<hbm>>) dst(%arg5 : memref<2x128xi32, #tpu.memory_space<vmem>>)
      tpu.yield
    }) : () -> ()
    %mul3A_1 = arith.constant 256 : i32
    %mul3A_2 = arith.muli %add3A, %mul3A_1 : i32
    %dma_start3A = arith.constant 0 : i32
    %dma_start3A_3 = arith.constant 0 : i32
    %dma_start3A_4 = tpu.memref_slice %arg5[%dma_start3A, %dma_start3A_3] : memref<2x128xi32, #tpu.memory_space<vmem>> -> memref<1x128xi32, #tpu.memory_space<vmem>>
    %dma_start3A_5 = tpu.memref_squeeze %dma_start3A_4 : memref<1x128xi32, #tpu.memory_space<vmem>> -> memref<128xi32, #tpu.memory_space<vmem>>
    %dma_start3A_6 = arith.constant 0 : i32
    %dma_start3A_7 = arith.constant 0 : i32
    %dma_start3A_8 = tpu.memref_slice %arg2[%dma_start3A_6, %dma_start3A_7] : memref<2048x512xf32, #tpu.memory_space<hbm>> -> memref<2048x512xf32, #tpu.memory_space<hbm>>
    tpu.enqueue_indirect_dma source(%dma_start3A_8 : memref<2048x512xf32, #tpu.memory_space<hbm>>) target(%arg6 : memref<128x512xf32, #tpu.memory_space<vmem>>) offsets(%dma_start3A_5 : memref<128xi32, #tpu.memory_space<vmem>>) semaphore(%arg7 : memref<!tpu.dma_semaphore, #tpu.memory_space<semaphore_mem>>)
    %dma_wait3A = arith.constant 0 : i32
    %dma_wait3A_9 = arith.constant 0 : i32
    %dma_wait3A_10 = tpu.memref_slice %arg5[%dma_wait3A, %dma_wait3A_9] : memref<2x128xi32, #tpu.memory_space<vmem>> -> memref<1x128xi32, #tpu.memory_space<vmem>>
    %dma_wait3A_11 = tpu.memref_squeeze %dma_wait3A_10 : memref<1x128xi32, #tpu.memory_space<vmem>> -> memref<128xi32, #tpu.memory_space<vmem>>
    %dma_wait3A_12 = arith.constant 0 : i32
    %dma_wait3A_13 = arith.constant 0 : i32
    %dma_wait3A_14 = tpu.memref_slice %arg2[%dma_wait3A_12, %dma_wait3A_13] : memref<2048x512xf32, #tpu.memory_space<hbm>> -> memref<2048x512xf32, #tpu.memory_space<hbm>>
    tpu.wait_indirect_dma semaphore(%arg7 : memref<!tpu.dma_semaphore, #tpu.memory_space<semaphore_mem>>) src(%dma_wait3A_14 : memref<2048x512xf32, #tpu.memory_space<hbm>>) dst(%arg6 : memref<128x512xf32, #tpu.memory_space<vmem>>)
    %add3A_15 = arith.constant 0 : i32
    %add3A_16 = arith.addi %mul3A_2, %add3A_15 : i32
    "tpu.region"() ({
      %run_scoped3A = tpu.sem_alloc : memref<!tpu.dma_semaphore, #tpu.memory_space<semaphore_mem>>
      %dma_start3A_33 = arith.constant 0 : i32
      %dma_start3A_34 = tpu.memref_slice %arg4[%add3A_16, %dma_start3A_33] : memref<8192x512xf32, #tpu.memory_space<hbm>> -> memref<128x512xf32, #tpu.memory_space<hbm>>
      %dma_start3A_35 = arith.constant 0 : i32
      %dma_start3A_36 = tpu.memref_slice %arg4[%add3A_16, %dma_start3A_35] : memref<8192x512xf32, #tpu.memory_space<hbm>> -> memref<128x512xf32, #tpu.memory_space<hbm>>
      tpu.enqueue_dma source(%arg6 : memref<128x512xf32, #tpu.memory_space<vmem>>) target(%dma_start3A_36 : memref<128x512xf32, #tpu.memory_space<hbm>>) target_semaphore(%run_scoped3A : memref<!tpu.dma_semaphore, #tpu.memory_space<semaphore_mem>>)
      %dma_wait3A_37 = arith.constant 0 : i32
      %dma_wait3A_38 = tpu.memref_slice %arg4[%add3A_16, %dma_wait3A_37] : memref<8192x512xf32, #tpu.memory_space<hbm>> -> memref<128x512xf32, #tpu.memory_space<hbm>>
      %dma_wait3A_39 = arith.constant 0 : i32
      %dma_wait3A_40 = tpu.memref_slice %arg4[%add3A_16, %dma_wait3A_39] : memref<8192x512xf32, #tpu.memory_space<hbm>> -> memref<128x512xf32, #tpu.memory_space<hbm>>
      tpu.wait_dma2 semaphore(%run_scoped3A : memref<!tpu.dma_semaphore, #tpu.memory_space<semaphore_mem>>) src(%arg6 : memref<128x512xf32, #tpu.memory_space<vmem>>) dst(%dma_wait3A_40 : memref<128x512xf32, #tpu.memory_space<hbm>>)
      tpu.yield
    }) : () -> ()
    %dma_start3A_17 = arith.constant 1 : i32
    %dma_start3A_18 = arith.constant 0 : i32
    %dma_start3A_19 = tpu.memref_slice %arg5[%dma_start3A_17, %dma_start3A_18] : memref<2x128xi32, #tpu.memory_space<vmem>> -> memref<1x128xi32, #tpu.memory_space<vmem>>
    %dma_start3A_20 = tpu.memref_squeeze %dma_start3A_19 : memref<1x128xi32, #tpu.memory_space<vmem>> -> memref<128xi32, #tpu.memory_space<vmem>>
    %dma_start3A_21 = arith.constant 0 : i32
    %dma_start3A_22 = arith.constant 0 : i32
    %dma_start3A_23 = tpu.memref_slice %arg2[%dma_start3A_21, %dma_start3A_22] : memref<2048x512xf32, #tpu.memory_space<hbm>> -> memref<2048x512xf32, #tpu.memory_space<hbm>>
    tpu.enqueue_indirect_dma source(%dma_start3A_23 : memref<2048x512xf32, #tpu.memory_space<hbm>>) target(%arg6 : memref<128x512xf32, #tpu.memory_space<vmem>>) offsets(%dma_start3A_20 : memref<128xi32, #tpu.memory_space<vmem>>) semaphore(%arg7 : memref<!tpu.dma_semaphore, #tpu.memory_space<semaphore_mem>>)
    %dma_wait3A_24 = arith.constant 1 : i32
    %dma_wait3A_25 = arith.constant 0 : i32
    %dma_wait3A_26 = tpu.memref_slice %arg5[%dma_wait3A_24, %dma_wait3A_25] : memref<2x128xi32, #tpu.memory_space<vmem>> -> memref<1x128xi32, #tpu.memory_space<vmem>>
    %dma_wait3A_27 = tpu.memref_squeeze %dma_wait3A_26 : memref<1x128xi32, #tpu.memory_space<vmem>> -> memref<128xi32, #tpu.memory_space<vmem>>
    %dma_wait3A_28 = arith.constant 0 : i32
    %dma_wait3A_29 = arith.constant 0 : i32
    %dma_wait3A_30 = tpu.memref_slice %arg2[%dma_wait3A_28, %dma_wait3A_29] : memref<2048x512xf32, #tpu.memory_space<hbm>> -> memref<2048x512xf32, #tpu.memory_space<hbm>>
    tpu.wait_indirect_dma semaphore(%arg7 : memref<!tpu.dma_semaphore, #tpu.memory_space<semaphore_mem>>) src(%dma_wait3A_30 : memref<2048x512xf32, #tpu.memory_space<hbm>>) dst(%arg6 : memref<128x512xf32, #tpu.memory_space<vmem>>)
    %add3A_31 = arith.constant 128 : i32
    %add3A_32 = arith.addi %mul3A_2, %add3A_31 : i32
    "tpu.region"() ({
      %run_scoped3A = tpu.sem_alloc : memref<!tpu.dma_semaphore, #tpu.memory_space<semaphore_mem>>
      %dma_start3A_33 = arith.constant 0 : i32
      %dma_start3A_34 = tpu.memref_slice %arg4[%add3A_32, %dma_start3A_33] : memref<8192x512xf32, #tpu.memory_space<hbm>> -> memref<128x512xf32, #tpu.memory_space<hbm>>
      %dma_start3A_35 = arith.constant 0 : i32
      %dma_start3A_36 = tpu.memref_slice %arg4[%add3A_32, %dma_start3A_35] : memref<8192x512xf32, #tpu.memory_space<hbm>> -> memref<128x512xf32, #tpu.memory_space<hbm>>
      tpu.enqueue_dma source(%arg6 : memref<128x512xf32, #tpu.memory_space<vmem>>) target(%dma_start3A_36 : memref<128x512xf32, #tpu.memory_space<hbm>>) target_semaphore(%run_scoped3A : memref<!tpu.dma_semaphore, #tpu.memory_space<semaphore_mem>>)
      %dma_wait3A_37 = arith.constant 0 : i32
      %dma_wait3A_38 = tpu.memref_slice %arg4[%add3A_32, %dma_wait3A_37] : memref<8192x512xf32, #tpu.memory_space<hbm>> -> memref<128x512xf32, #tpu.memory_space<hbm>>
      %dma_wait3A_39 = arith.constant 0 : i32
      %dma_wait3A_40 = tpu.memref_slice %arg4[%add3A_32, %dma_wait3A_39] : memref<8192x512xf32, #tpu.memory_space<hbm>> -> memref<128x512xf32, #tpu.memory_space<hbm>>
      tpu.wait_dma2 semaphore(%run_scoped3A : memref<!tpu.dma_semaphore, #tpu.memory_space<semaphore_mem>>) src(%arg6 : memref<128x512xf32, #tpu.memory_space<vmem>>) dst(%dma_wait3A_40 : memref<128x512xf32, #tpu.memory_space<hbm>>)
      tpu.yield
    }) : () -> ()
    return
  }
}

module attributes {stable_mosaic.version = 14 : i64} {
  func.func @_hist_body(%arg0: i32, %arg1: memref<16x2xf32, #tpu.memory_space<vmem>>, %arg2: memref<2x1024xf32, #tpu.memory_space<vmem>>, %arg3: memref<16x20x20xf32, #tpu.memory_space<vmem>>) attributes {dimension_semantics = [#tpu.dimension_semantics<arbitrary>], iteration_bounds = array<i64: 128>, scalar_prefetch = 0 : i64, scratch_operands = 0 : i64, tpu.core_type = #tpu.core_type<tc>, window_params = [{transform_indices = @transform_0, window_bounds = array<i64: 16, 2>}, {pipeline_mode = #tpu.pipeline_mode<synchronous>, transform_indices = @transform_1, window_bounds = array<i64: 2, 1024>}, {transform_indices = @transform_2, window_bounds = array<i64: 16, 20, 20>}]} {
    %get3A = arith.constant 0 : index
    %get3A_0 = arith.constant 0 : index
    %get3A_1 = vector.load %arg2[%get3A, %get3A_0] : memref<2x1024xf32, #tpu.memory_space<vmem>>, vector<1x1024xf32>
    %get3A_2 = vector.shape_cast %get3A_1 : vector<1x1024xf32> to vector<1024xf32>
    %get3A_3 = arith.constant 1 : index
    %get3A_4 = arith.constant 0 : index
    %get3A_5 = vector.load %arg2[%get3A_3, %get3A_4] : memref<2x1024xf32, #tpu.memory_space<vmem>>, vector<1x1024xf32>
    %get3A_6 = vector.shape_cast %get3A_5 : vector<1x1024xf32> to vector<1024xf32>
    %get3A_7 = arith.constant 0 : index
    %get3A_8 = arith.constant 0 : index
    %get3A_9 = vector.load %arg1[%get3A_7, %get3A_8] : memref<16x2xf32, #tpu.memory_space<vmem>>, vector<16x1xf32>
    %get3A_10 = arith.constant 0 : index
    %get3A_11 = arith.constant 1 : index
    %get3A_12 = vector.load %arg1[%get3A_10, %get3A_11] : memref<16x2xf32, #tpu.memory_space<vmem>>, vector<16x1xf32>
    %broadcast_in_dim3A = vector.shape_cast %get3A_2 : vector<1024xf32> to vector<1x1024xf32>
    %add3A = vector.broadcast %get3A_9 : vector<16x1xf32> to vector<16x1024xf32>
    %add3A_13 = vector.broadcast %broadcast_in_dim3A : vector<1x1024xf32> to vector<16x1024xf32>
    %add3A_14 = arith.addf %add3A, %add3A_13 : vector<16x1024xf32>
    %broadcast_in_dim3A_15 = vector.shape_cast %get3A_6 : vector<1024xf32> to vector<1x1024xf32>
    %add3A_16 = vector.broadcast %get3A_12 : vector<16x1xf32> to vector<16x1024xf32>
    %add3A_17 = vector.broadcast %broadcast_in_dim3A_15 : vector<1x1024xf32> to vector<16x1024xf32>
    %add3A_18 = arith.addf %add3A_16, %add3A_17 : vector<16x1024xf32>
    %ge3A = arith.constant 0.000000e+00 : f32
    %ge3A_19 = vector.broadcast %ge3A : f32 to vector<16x1024xf32>
    %ge3A_20 = arith.cmpf oge, %add3A_14, %ge3A_19 : vector<16x1024xf32>
    %le3A = arith.constant 1.000000e+01 : f32
    %le3A_21 = vector.broadcast %le3A : f32 to vector<16x1024xf32>
    %le3A_22 = arith.cmpf ole, %add3A_14, %le3A_21 : vector<16x1024xf32>
    %and3A = arith.andi %ge3A_20, %le3A_22 : vector<16x1024xi1>
    %ge3A_23 = arith.constant -3.140000e+00 : f32
    %ge3A_24 = vector.broadcast %ge3A_23 : f32 to vector<16x1024xf32>
    %ge3A_25 = arith.cmpf oge, %add3A_18, %ge3A_24 : vector<16x1024xf32>
    %and3A_26 = arith.andi %and3A, %ge3A_25 : vector<16x1024xi1>
    %le3A_27 = arith.constant 3.140000e+00 : f32
    %le3A_28 = vector.broadcast %le3A_27 : f32 to vector<16x1024xf32>
    %le3A_29 = arith.cmpf ole, %add3A_18, %le3A_28 : vector<16x1024xf32>
    %and3A_30 = arith.andi %and3A_26, %le3A_29 : vector<16x1024xi1>
    %convert_element_type3A = arith.extui %and3A_30 : vector<16x1024xi1> to vector<16x1024xi32>
    %convert_element_type3A_31 = arith.sitofp %convert_element_type3A : vector<16x1024xi32> to vector<16x1024xf32>
    %sub3A = arith.constant 0.000000e+00 : f32
    %sub3A_32 = vector.broadcast %sub3A : f32 to vector<16x1024xf32>
    %sub3A_33 = arith.subf %add3A_14, %sub3A_32 : vector<16x1024xf32>
    %div3A = arith.constant 5.000000e-01 : f32
    %div3A_34 = vector.broadcast %div3A : f32 to vector<16x1024xf32>
    %div3A_35 = arith.divf %sub3A_33, %div3A_34 : vector<16x1024xf32>
    %floor3A = math.floor %div3A_35 : vector<16x1024xf32>
    %convert_element_type3A_36 = arith.fptosi %floor3A : vector<16x1024xf32> to vector<16x1024xi32>
    %jit3A = arith.constant 0 : i32
    %jit3A_37 = arith.constant 19 : i32
    %max3A = vector.broadcast %jit3A : i32 to vector<16x1024xi32>
    %max3A_38 = arith.maxsi %max3A, %convert_element_type3A_36 : vector<16x1024xi32>
    %min3A = vector.broadcast %jit3A_37 : i32 to vector<16x1024xi32>
    %min3A_39 = arith.minsi %min3A, %max3A_38 : vector<16x1024xi32>
    %sub3A_40 = arith.constant -3.140000e+00 : f32
    %sub3A_41 = vector.broadcast %sub3A_40 : f32 to vector<16x1024xf32>
    %sub3A_42 = arith.subf %add3A_18, %sub3A_41 : vector<16x1024xf32>
    %div3A_43 = arith.constant 3.140000e-01 : f32
    %div3A_44 = vector.broadcast %div3A_43 : f32 to vector<16x1024xf32>
    %div3A_45 = arith.divf %sub3A_42, %div3A_44 : vector<16x1024xf32>
    %floor3A_46 = math.floor %div3A_45 : vector<16x1024xf32>
    %convert_element_type3A_47 = arith.fptosi %floor3A_46 : vector<16x1024xf32> to vector<16x1024xi32>
    %jit3A_48 = arith.constant 0 : i32
    %jit3A_49 = arith.constant 19 : i32
    %max3A_50 = vector.broadcast %jit3A_48 : i32 to vector<16x1024xi32>
    %max3A_51 = arith.maxsi %max3A_50, %convert_element_type3A_47 : vector<16x1024xi32>
    %min3A_52 = vector.broadcast %jit3A_49 : i32 to vector<16x1024xi32>
    %min3A_53 = arith.minsi %min3A_52, %max3A_51 : vector<16x1024xi32>
    %iota3A = tpu.iota {dimensions = array<i32: 1>} : vector<16x20x1024xi32>
    %iota3A_54 = tpu.iota {dimensions = array<i32: 2>} : vector<16x1024x20xi32>
    %broadcast_in_dim3A_55 = vector.shape_cast %min3A_39 : vector<16x1024xi32> to vector<16x1x1024xi32>
    %eq3A = vector.broadcast %broadcast_in_dim3A_55 : vector<16x1x1024xi32> to vector<16x20x1024xi32>
    %eq3A_56 = arith.cmpi eq, %eq3A, %iota3A : vector<16x20x1024xi32>
    %broadcast_in_dim3A_57 = vector.shape_cast %convert_element_type3A_31 : vector<16x1024xf32> to vector<16x1x1024xf32>
    %jit3A_58 = arith.constant 0.000000e+00 : f32
    %broadcast_in_dim3A_59 = vector.shape_cast %broadcast_in_dim3A_57 : vector<16x1x1024xf32> to vector<16x1x1024xf32>
    %broadcast_in_dim3A_60 = vector.broadcast %broadcast_in_dim3A_59 : vector<16x1x1024xf32> to vector<16x20x1024xf32>
    %broadcast_in_dim3A_61 = vector.broadcast %jit3A_58 : f32 to vector<16x20x1024xf32>
    %select_n3A = arith.select %eq3A_56, %broadcast_in_dim3A_60, %broadcast_in_dim3A_61 : vector<16x20x1024xi1>, vector<16x20x1024xf32>
    %broadcast_in_dim3A_62 = vector.shape_cast %min3A_53 : vector<16x1024xi32> to vector<16x1024x1xi32>
    %eq3A_63 = vector.broadcast %broadcast_in_dim3A_62 : vector<16x1024x1xi32> to vector<16x1024x20xi32>
    %eq3A_64 = arith.cmpi eq, %eq3A_63, %iota3A_54 : vector<16x1024x20xi32>
    %jit3A_65 = arith.constant 1.000000e+00 : f32
    %jit3A_66 = arith.constant 0.000000e+00 : f32
    %broadcast_in_dim3A_67 = vector.broadcast %jit3A_65 : f32 to vector<16x1024x20xf32>
    %broadcast_in_dim3A_68 = vector.broadcast %jit3A_66 : f32 to vector<16x1024x20xf32>
    %select_n3A_69 = arith.select %eq3A_64, %broadcast_in_dim3A_67, %broadcast_in_dim3A_68 : vector<16x1024x20xi1>, vector<16x1024x20xf32>
    %reduce_sum3A = arith.constant dense<0.000000e+00> : vector<16xf32>
    %reduce_sum3A_70 = vector.multi_reduction <add>, %convert_element_type3A_31, %reduce_sum3A [1] : vector<16x1024xf32> to vector<16xf32>
    %slice3A = vector.extract_strided_slice %select_n3A {offsets = [0, 0, 0], sizes = [1, 20, 1024], strides = [1, 1, 1]} : vector<16x20x1024xf32> to vector<1x20x1024xf32>
    %squeeze3A = vector.shape_cast %slice3A : vector<1x20x1024xf32> to vector<20x1024xf32>
    %slice3A_71 = vector.extract_strided_slice %select_n3A_69 {offsets = [0, 0, 0], sizes = [1, 1024, 20], strides = [1, 1, 1]} : vector<16x1024x20xf32> to vector<1x1024x20xf32>
    %squeeze3A_72 = vector.shape_cast %slice3A_71 : vector<1x1024x20xf32> to vector<1024x20xf32>
    %dot_general3A = arith.constant dense<0.000000e+00> : vector<20x20xf32>
    %dot_general3A_73 = tpu.matmul %squeeze3A, %squeeze3A_72, %dot_general3A {dimension_numbers = #tpu.dot_dimension_numbers<[1], [0], [0], [1], [0, 0, 1, 1], [], []>, transpose_lhs_hint = false} : vector<20x1024xf32>, vector<1024x20xf32>, vector<20x20xf32> -> vector<20x20xf32>
    %slice3A_74 = vector.extract_strided_slice %reduce_sum3A_70 {offsets = [0], sizes = [1], strides = [1]} : vector<16xf32> to vector<1xf32>
    %squeeze3A_75 = vector.extract %slice3A_74[0] : f32 from vector<1xf32>
    %mul3A = arith.constant 5.000000e-01 : f32
    %mul3A_76 = arith.mulf %squeeze3A_75, %mul3A : f32
    %mul3A_77 = arith.constant 3.140000e-01 : f32
    %mul3A_78 = arith.mulf %mul3A_76, %mul3A_77 : f32
    %div3A_79 = vector.broadcast %mul3A_78 : f32 to vector<20x20xf32>
    %div3A_80 = arith.divf %dot_general3A_73, %div3A_79 : vector<20x20xf32>
    %swap3A = arith.constant 0 : index
    %swap3A_81 = arith.constant 0 : index
    %swap3A_82 = arith.constant 0 : index
    %swap3A_83 = vector.load %arg3[%swap3A, %swap3A_81, %swap3A_82] : memref<16x20x20xf32, #tpu.memory_space<vmem>>, vector<1x20x20xf32>
    %swap3A_84 = vector.shape_cast %swap3A_83 : vector<1x20x20xf32> to vector<20x20xf32>
    %swap3A_85 = vector.shape_cast %div3A_80 : vector<20x20xf32> to vector<1x20x20xf32>
    tpu.vector_store %arg3[%swap3A, %swap3A_81, %swap3A_82], %swap3A_85 {strides = array<i32>} : memref<16x20x20xf32, #tpu.memory_space<vmem>>, vector<1x20x20xf32>,
    %slice3A_86 = vector.extract_strided_slice %select_n3A {offsets = [1, 0, 0], sizes = [1, 20, 1024], strides = [1, 1, 1]} : vector<16x20x1024xf32> to vector<1x20x1024xf32>
    %squeeze3A_87 = vector.shape_cast %slice3A_86 : vector<1x20x1024xf32> to vector<20x1024xf32>
    %slice3A_88 = vector.extract_strided_slice %select_n3A_69 {offsets = [1, 0, 0], sizes = [1, 1024, 20], strides = [1, 1, 1]} : vector<16x1024x20xf32> to vector<1x1024x20xf32>
    %squeeze3A_89 = vector.shape_cast %slice3A_88 : vector<1x1024x20xf32> to vector<1024x20xf32>
    %dot_general3A_90 = arith.constant dense<0.000000e+00> : vector<20x20xf32>
    %dot_general3A_91 = tpu.matmul %squeeze3A_87, %squeeze3A_89, %dot_general3A_90 {dimension_numbers = #tpu.dot_dimension_numbers<[1], [0], [0], [1], [0, 0, 1, 1], [], []>, transpose_lhs_hint = false} : vector<20x1024xf32>, vector<1024x20xf32>, vector<20x20xf32> -> vector<20x20xf32>
    %slice3A_92 = vector.extract_strided_slice %reduce_sum3A_70 {offsets = [1], sizes = [1], strides = [1]} : vector<16xf32> to vector<1xf32>
    %squeeze3A_93 = vector.extract %slice3A_92[0] : f32 from vector<1xf32>
    %mul3A_94 = arith.constant 5.000000e-01 : f32
    %mul3A_95 = arith.mulf %squeeze3A_93, %mul3A_94 : f32
    %mul3A_96 = arith.constant 3.140000e-01 : f32
    %mul3A_97 = arith.mulf %mul3A_95, %mul3A_96 : f32
    %div3A_98 = vector.broadcast %mul3A_97 : f32 to vector<20x20xf32>
    %div3A_99 = arith.divf %dot_general3A_91, %div3A_98 : vector<20x20xf32>
    %swap3A_100 = arith.constant 1 : index
    %swap3A_101 = arith.constant 0 : index
    %swap3A_102 = arith.constant 0 : index
    %swap3A_103 = vector.load %arg3[%swap3A_100, %swap3A_101, %swap3A_102] : memref<16x20x20xf32, #tpu.memory_space<vmem>>, vector<1x20x20xf32>
    %swap3A_104 = vector.shape_cast %swap3A_103 : vector<1x20x20xf32> to vector<20x20xf32>
    %swap3A_105 = vector.shape_cast %div3A_99 : vector<20x20xf32> to vector<1x20x20xf32>
    tpu.vector_store %arg3[%swap3A_100, %swap3A_101, %swap3A_102], %swap3A_105 {strides = array<i32>} : memref<16x20x20xf32, #tpu.memory_space<vmem>>, vector<1x20x20xf32>,
    %slice3A_106 = vector.extract_strided_slice %select_n3A {offsets = [2, 0, 0], sizes = [1, 20, 1024], strides = [1, 1, 1]} : vector<16x20x1024xf32> to vector<1x20x1024xf32>
    %squeeze3A_107 = vector.shape_cast %slice3A_106 : vector<1x20x1024xf32> to vector<20x1024xf32>
    %slice3A_108 = vector.extract_strided_slice %select_n3A_69 {offsets = [2, 0, 0], sizes = [1, 1024, 20], strides = [1, 1, 1]} : vector<16x1024x20xf32> to vector<1x1024x20xf32>
    %squeeze3A_109 = vector.shape_cast %slice3A_108 : vector<1x1024x20xf32> to vector<1024x20xf32>
    %dot_general3A_110 = arith.constant dense<0.000000e+00> : vector<20x20xf32>
    %dot_general3A_111 = tpu.matmul %squeeze3A_107, %squeeze3A_109, %dot_general3A_110 {dimension_numbers = #tpu.dot_dimension_numbers<[1], [0], [0], [1], [0, 0, 1, 1], [], []>, transpose_lhs_hint = false} : vector<20x1024xf32>, vector<1024x20xf32>, vector<20x20xf32> -> vector<20x20xf32>
    %slice3A_112 = vector.extract_strided_slice %reduce_sum3A_70 {offsets = [2], sizes = [1], strides = [1]} : vector<16xf32> to vector<1xf32>
    %squeeze3A_113 = vector.extract %slice3A_112[0] : f32 from vector<1xf32>
    %mul3A_114 = arith.constant 5.000000e-01 : f32
    %mul3A_115 = arith.mulf %squeeze3A_113, %mul3A_114 : f32
    %mul3A_116 = arith.constant 3.140000e-01 : f32
    %mul3A_117 = arith.mulf %mul3A_115, %mul3A_116 : f32
    %div3A_118 = vector.broadcast %mul3A_117 : f32 to vector<20x20xf32>
    %div3A_119 = arith.divf %dot_general3A_111, %div3A_118 : vector<20x20xf32>
    %swap3A_120 = arith.constant 2 : index
    %swap3A_121 = arith.constant 0 : index
    %swap3A_122 = arith.constant 0 : index
    %swap3A_123 = vector.load %arg3[%swap3A_120, %swap3A_121, %swap3A_122] : memref<16x20x20xf32, #tpu.memory_space<vmem>>, vector<1x20x20xf32>
    %swap3A_124 = vector.shape_cast %swap3A_123 : vector<1x20x20xf32> to vector<20x20xf32>
    %swap3A_125 = vector.shape_cast %div3A_119 : vector<20x20xf32> to vector<1x20x20xf32>
    tpu.vector_store %arg3[%swap3A_120, %swap3A_121, %swap3A_122], %swap3A_125 {strides = array<i32>} : memref<16x20x20xf32, #tpu.memory_space<vmem>>, vector<1x20x20xf32>,
    %slice3A_126 = vector.extract_strided_slice %select_n3A {offsets = [3, 0, 0], sizes = [1, 20, 1024], strides = [1, 1, 1]} : vector<16x20x1024xf32> to vector<1x20x1024xf32>
    %squeeze3A_127 = vector.shape_cast %slice3A_126 : vector<1x20x1024xf32> to vector<20x1024xf32>
    %slice3A_128 = vector.extract_strided_slice %select_n3A_69 {offsets = [3, 0, 0], sizes = [1, 1024, 20], strides = [1, 1, 1]} : vector<16x1024x20xf32> to vector<1x1024x20xf32>
    %squeeze3A_129 = vector.shape_cast %slice3A_128 : vector<1x1024x20xf32> to vector<1024x20xf32>
    %dot_general3A_130 = arith.constant dense<0.000000e+00> : vector<20x20xf32>
    %dot_general3A_131 = tpu.matmul %squeeze3A_127, %squeeze3A_129, %dot_general3A_130 {dimension_numbers = #tpu.dot_dimension_numbers<[1], [0], [0], [1], [0, 0, 1, 1], [], []>, transpose_lhs_hint = false} : vector<20x1024xf32>, vector<1024x20xf32>, vector<20x20xf32> -> vector<20x20xf32>
    %slice3A_132 = vector.extract_strided_slice %reduce_sum3A_70 {offsets = [3], sizes = [1], strides = [1]} : vector<16xf32> to vector<1xf32>
    %squeeze3A_133 = vector.extract %slice3A_132[0] : f32 from vector<1xf32>
    %mul3A_134 = arith.constant 5.000000e-01 : f32
    %mul3A_135 = arith.mulf %squeeze3A_133, %mul3A_134 : f32
    %mul3A_136 = arith.constant 3.140000e-01 : f32
    %mul3A_137 = arith.mulf %mul3A_135, %mul3A_136 : f32
    %div3A_138 = vector.broadcast %mul3A_137 : f32 to vector<20x20xf32>
    %div3A_139 = arith.divf %dot_general3A_131, %div3A_138 : vector<20x20xf32>
    %swap3A_140 = arith.constant 3 : index
    %swap3A_141 = arith.constant 0 : index
    %swap3A_142 = arith.constant 0 : index
    %swap3A_143 = vector.load %arg3[%swap3A_140, %swap3A_141, %swap3A_142] : memref<16x20x20xf32, #tpu.memory_space<vmem>>, vector<1x20x20xf32>
    %swap3A_144 = vector.shape_cast %swap3A_143 : vector<1x20x20xf32> to vector<20x20xf32>
    %swap3A_145 = vector.shape_cast %div3A_139 : vector<20x20xf32> to vector<1x20x20xf32>
    tpu.vector_store %arg3[%swap3A_140, %swap3A_141, %swap3A_142], %swap3A_145 {strides = array<i32>} : memref<16x20x20xf32, #tpu.memory_space<vmem>>, vector<1x20x20xf32>,
    %slice3A_146 = vector.extract_strided_slice %select_n3A {offsets = [4, 0, 0], sizes = [1, 20, 1024], strides = [1, 1, 1]} : vector<16x20x1024xf32> to vector<1x20x1024xf32>
    %squeeze3A_147 = vector.shape_cast %slice3A_146 : vector<1x20x1024xf32> to vector<20x1024xf32>
    %slice3A_148 = vector.extract_strided_slice %select_n3A_69 {offsets = [4, 0, 0], sizes = [1, 1024, 20], strides = [1, 1, 1]} : vector<16x1024x20xf32> to vector<1x1024x20xf32>
    %squeeze3A_149 = vector.shape_cast %slice3A_148 : vector<1x1024x20xf32> to vector<1024x20xf32>
    %dot_general3A_150 = arith.constant dense<0.000000e+00> : vector<20x20xf32>
    %dot_general3A_151 = tpu.matmul %squeeze3A_147, %squeeze3A_149, %dot_general3A_150 {dimension_numbers = #tpu.dot_dimension_numbers<[1], [0], [0], [1], [0, 0, 1, 1], [], []>, transpose_lhs_hint = false} : vector<20x1024xf32>, vector<1024x20xf32>, vector<20x20xf32> -> vector<20x20xf32>
    %slice3A_152 = vector.extract_strided_slice %reduce_sum3A_70 {offsets = [4], sizes = [1], strides = [1]} : vector<16xf32> to vector<1xf32>
    %squeeze3A_153 = vector.extract %slice3A_152[0] : f32 from vector<1xf32>
    %mul3A_154 = arith.constant 5.000000e-01 : f32
    %mul3A_155 = arith.mulf %squeeze3A_153, %mul3A_154 : f32
    %mul3A_156 = arith.constant 3.140000e-01 : f32
    %mul3A_157 = arith.mulf %mul3A_155, %mul3A_156 : f32
    %div3A_158 = vector.broadcast %mul3A_157 : f32 to vector<20x20xf32>
    %div3A_159 = arith.divf %dot_general3A_151, %div3A_158 : vector<20x20xf32>
    %swap3A_160 = arith.constant 4 : index
    %swap3A_161 = arith.constant 0 : index
    %swap3A_162 = arith.constant 0 : index
    %swap3A_163 = vector.load %arg3[%swap3A_160, %swap3A_161, %swap3A_162] : memref<16x20x20xf32, #tpu.memory_space<vmem>>, vector<1x20x20xf32>
    %swap3A_164 = vector.shape_cast %swap3A_163 : vector<1x20x20xf32> to vector<20x20xf32>
    %swap3A_165 = vector.shape_cast %div3A_159 : vector<20x20xf32> to vector<1x20x20xf32>
    tpu.vector_store %arg3[%swap3A_160, %swap3A_161, %swap3A_162], %swap3A_165 {strides = array<i32>} : memref<16x20x20xf32, #tpu.memory_space<vmem>>, vector<1x20x20xf32>,
    %slice3A_166 = vector.extract_strided_slice %select_n3A {offsets = [5, 0, 0], sizes = [1, 20, 1024], strides = [1, 1, 1]} : vector<16x20x1024xf32> to vector<1x20x1024xf32>
    %squeeze3A_167 = vector.shape_cast %slice3A_166 : vector<1x20x1024xf32> to vector<20x1024xf32>
    %slice3A_168 = vector.extract_strided_slice %select_n3A_69 {offsets = [5, 0, 0], sizes = [1, 1024, 20], strides = [1, 1, 1]} : vector<16x1024x20xf32> to vector<1x1024x20xf32>
    %squeeze3A_169 = vector.shape_cast %slice3A_168 : vector<1x1024x20xf32> to vector<1024x20xf32>
    %dot_general3A_170 = arith.constant dense<0.000000e+00> : vector<20x20xf32>
    %dot_general3A_171 = tpu.matmul %squeeze3A_167, %squeeze3A_169, %dot_general3A_170 {dimension_numbers = #tpu.dot_dimension_numbers<[1], [0], [0], [1], [0, 0, 1, 1], [], []>, transpose_lhs_hint = false} : vector<20x1024xf32>, vector<1024x20xf32>, vector<20x20xf32> -> vector<20x20xf32>
    %slice3A_172 = vector.extract_strided_slice %reduce_sum3A_70 {offsets = [5], sizes = [1], strides = [1]} : vector<16xf32> to vector<1xf32>
    %squeeze3A_173 = vector.extract %slice3A_172[0] : f32 from vector<1xf32>
    %mul3A_174 = arith.constant 5.000000e-01 : f32
    %mul3A_175 = arith.mulf %squeeze3A_173, %mul3A_174 : f32
    %mul3A_176 = arith.constant 3.140000e-01 : f32
    %mul3A_177 = arith.mulf %mul3A_175, %mul3A_176 : f32
    %div3A_178 = vector.broadcast %mul3A_177 : f32 to vector<20x20xf32>
    %div3A_179 = arith.divf %dot_general3A_171, %div3A_178 : vector<20x20xf32>
    %swap3A_180 = arith.constant 5 : index
    %swap3A_181 = arith.constant 0 : index
    %swap3A_182 = arith.constant 0 : index
    %swap3A_183 = vector.load %arg3[%swap3A_180, %swap3A_181, %swap3A_182] : memref<16x20x20xf32, #tpu.memory_space<vmem>>, vector<1x20x20xf32>
    %swap3A_184 = vector.shape_cast %swap3A_183 : vector<1x20x20xf32> to vector<20x20xf32>
    %swap3A_185 = vector.shape_cast %div3A_179 : vector<20x20xf32> to vector<1x20x20xf32>
    tpu.vector_store %arg3[%swap3A_180, %swap3A_181, %swap3A_182], %swap3A_185 {strides = array<i32>} : memref<16x20x20xf32, #tpu.memory_space<vmem>>, vector<1x20x20xf32>,
    %slice3A_186 = vector.extract_strided_slice %select_n3A {offsets = [6, 0, 0], sizes = [1, 20, 1024], strides = [1, 1, 1]} : vector<16x20x1024xf32> to vector<1x20x1024xf32>
    %squeeze3A_187 = vector.shape_cast %slice3A_186 : vector<1x20x1024xf32> to vector<20x1024xf32>
    %slice3A_188 = vector.extract_strided_slice %select_n3A_69 {offsets = [6, 0, 0], sizes = [1, 1024, 20], strides = [1, 1, 1]} : vector<16x1024x20xf32> to vector<1x1024x20xf32>
    %squeeze3A_189 = vector.shape_cast %slice3A_188 : vector<1x1024x20xf32> to vector<1024x20xf32>
    %dot_general3A_190 = arith.constant dense<0.000000e+00> : vector<20x20xf32>
    %dot_general3A_191 = tpu.matmul %squeeze3A_187, %squeeze3A_189, %dot_general3A_190 {dimension_numbers = #tpu.dot_dimension_numbers<[1], [0], [0], [1], [0, 0, 1, 1], [], []>, transpose_lhs_hint = false} : vector<20x1024xf32>, vector<1024x20xf32>, vector<20x20xf32> -> vector<20x20xf32>
    %slice3A_192 = vector.extract_strided_slice %reduce_sum3A_70 {offsets = [6], sizes = [1], strides = [1]} : vector<16xf32> to vector<1xf32>
    %squeeze3A_193 = vector.extract %slice3A_192[0] : f32 from vector<1xf32>
    %mul3A_194 = arith.constant 5.000000e-01 : f32
    %mul3A_195 = arith.mulf %squeeze3A_193, %mul3A_194 : f32
    %mul3A_196 = arith.constant 3.140000e-01 : f32
    %mul3A_197 = arith.mulf %mul3A_195, %mul3A_196 : f32
    %div3A_198 = vector.broadcast %mul3A_197 : f32 to vector<20x20xf32>
    %div3A_199 = arith.divf %dot_general3A_191, %div3A_198 : vector<20x20xf32>
    %swap3A_200 = arith.constant 6 : index
    %swap3A_201 = arith.constant 0 : index
    %swap3A_202 = arith.constant 0 : index
    %swap3A_203 = vector.load %arg3[%swap3A_200, %swap3A_201, %swap3A_202] : memref<16x20x20xf32, #tpu.memory_space<vmem>>, vector<1x20x20xf32>
    %swap3A_204 = vector.shape_cast %swap3A_203 : vector<1x20x20xf32> to vector<20x20xf32>
    %swap3A_205 = vector.shape_cast %div3A_199 : vector<20x20xf32> to vector<1x20x20xf32>
    tpu.vector_store %arg3[%swap3A_200, %swap3A_201, %swap3A_202], %swap3A_205 {strides = array<i32>} : memref<16x20x20xf32, #tpu.memory_space<vmem>>, vector<1x20x20xf32>,
    %slice3A_206 = vector.extract_strided_slice %select_n3A {offsets = [7, 0, 0], sizes = [1, 20, 1024], strides = [1, 1, 1]} : vector<16x20x1024xf32> to vector<1x20x1024xf32>
    %squeeze3A_207 = vector.shape_cast %slice3A_206 : vector<1x20x1024xf32> to vector<20x1024xf32>
    %slice3A_208 = vector.extract_strided_slice %select_n3A_69 {offsets = [7, 0, 0], sizes = [1, 1024, 20], strides = [1, 1, 1]} : vector<16x1024x20xf32> to vector<1x1024x20xf32>
    %squeeze3A_209 = vector.shape_cast %slice3A_208 : vector<1x1024x20xf32> to vector<1024x20xf32>
    %dot_general3A_210 = arith.constant dense<0.000000e+00> : vector<20x20xf32>
    %dot_general3A_211 = tpu.matmul %squeeze3A_207, %squeeze3A_209, %dot_general3A_210 {dimension_numbers = #tpu.dot_dimension_numbers<[1], [0], [0], [1], [0, 0, 1, 1], [], []>, transpose_lhs_hint = false} : vector<20x1024xf32>, vector<1024x20xf32>, vector<20x20xf32> -> vector<20x20xf32>
    %slice3A_212 = vector.extract_strided_slice %reduce_sum3A_70 {offsets = [7], sizes = [1], strides = [1]} : vector<16xf32> to vector<1xf32>
    %squeeze3A_213 = vector.extract %slice3A_212[0] : f32 from vector<1xf32>
    %mul3A_214 = arith.constant 5.000000e-01 : f32
    %mul3A_215 = arith.mulf %squeeze3A_213, %mul3A_214 : f32
    %mul3A_216 = arith.constant 3.140000e-01 : f32
    %mul3A_217 = arith.mulf %mul3A_215, %mul3A_216 : f32
    %div3A_218 = vector.broadcast %mul3A_217 : f32 to vector<20x20xf32>
    %div3A_219 = arith.divf %dot_general3A_211, %div3A_218 : vector<20x20xf32>
    %swap3A_220 = arith.constant 7 : index
    %swap3A_221 = arith.constant 0 : index
    %swap3A_222 = arith.constant 0 : index
    %swap3A_223 = vector.load %arg3[%swap3A_220, %swap3A_221, %swap3A_222] : memref<16x20x20xf32, #tpu.memory_space<vmem>>, vector<1x20x20xf32>
    %swap3A_224 = vector.shape_cast %swap3A_223 : vector<1x20x20xf32> to vector<20x20xf32>
    %swap3A_225 = vector.shape_cast %div3A_219 : vector<20x20xf32> to vector<1x20x20xf32>
    tpu.vector_store %arg3[%swap3A_220, %swap3A_221, %swap3A_222], %swap3A_225 {strides = array<i32>} : memref<16x20x20xf32, #tpu.memory_space<vmem>>, vector<1x20x20xf32>,
    %slice3A_226 = vector.extract_strided_slice %select_n3A {offsets = [8, 0, 0], sizes = [1, 20, 1024], strides = [1, 1, 1]} : vector<16x20x1024xf32> to vector<1x20x1024xf32>
    %squeeze3A_227 = vector.shape_cast %slice3A_226 : vector<1x20x1024xf32> to vector<20x1024xf32>
    %slice3A_228 = vector.extract_strided_slice %select_n3A_69 {offsets = [8, 0, 0], sizes = [1, 1024, 20], strides = [1, 1, 1]} : vector<16x1024x20xf32> to vector<1x1024x20xf32>
    %squeeze3A_229 = vector.shape_cast %slice3A_228 : vector<1x1024x20xf32> to vector<1024x20xf32>
    %dot_general3A_230 = arith.constant dense<0.000000e+00> : vector<20x20xf32>
    %dot_general3A_231 = tpu.matmul %squeeze3A_227, %squeeze3A_229, %dot_general3A_230 {dimension_numbers = #tpu.dot_dimension_numbers<[1], [0], [0], [1], [0, 0, 1, 1], [], []>, transpose_lhs_hint = false} : vector<20x1024xf32>, vector<1024x20xf32>, vector<20x20xf32> -> vector<20x20xf32>
    %slice3A_232 = vector.extract_strided_slice %reduce_sum3A_70 {offsets = [8], sizes = [1], strides = [1]} : vector<16xf32> to vector<1xf32>
    %squeeze3A_233 = vector.extract %slice3A_232[0] : f32 from vector<1xf32>
    %mul3A_234 = arith.constant 5.000000e-01 : f32
    %mul3A_235 = arith.mulf %squeeze3A_233, %mul3A_234 : f32
    %mul3A_236 = arith.constant 3.140000e-01 : f32
    %mul3A_237 = arith.mulf %mul3A_235, %mul3A_236 : f32
    %div3A_238 = vector.broadcast %mul3A_237 : f32 to vector<20x20xf32>
    %div3A_239 = arith.divf %dot_general3A_231, %div3A_238 : vector<20x20xf32>
    %swap3A_240 = arith.constant 8 : index
    %swap3A_241 = arith.constant 0 : index
    %swap3A_242 = arith.constant 0 : index
    %swap3A_243 = vector.load %arg3[%swap3A_240, %swap3A_241, %swap3A_242] : memref<16x20x20xf32, #tpu.memory_space<vmem>>, vector<1x20x20xf32>
    %swap3A_244 = vector.shape_cast %swap3A_243 : vector<1x20x20xf32> to vector<20x20xf32>
    %swap3A_245 = vector.shape_cast %div3A_239 : vector<20x20xf32> to vector<1x20x20xf32>
    tpu.vector_store %arg3[%swap3A_240, %swap3A_241, %swap3A_242], %swap3A_245 {strides = array<i32>} : memref<16x20x20xf32, #tpu.memory_space<vmem>>, vector<1x20x20xf32>,
    %slice3A_246 = vector.extract_strided_slice %select_n3A {offsets = [9, 0, 0], sizes = [1, 20, 1024], strides = [1, 1, 1]} : vector<16x20x1024xf32> to vector<1x20x1024xf32>
    %squeeze3A_247 = vector.shape_cast %slice3A_246 : vector<1x20x1024xf32> to vector<20x1024xf32>
    %slice3A_248 = vector.extract_strided_slice %select_n3A_69 {offsets = [9, 0, 0], sizes = [1, 1024, 20], strides = [1, 1, 1]} : vector<16x1024x20xf32> to vector<1x1024x20xf32>
    %squeeze3A_249 = vector.shape_cast %slice3A_248 : vector<1x1024x20xf32> to vector<1024x20xf32>
    %dot_general3A_250 = arith.constant dense<0.000000e+00> : vector<20x20xf32>
    %dot_general3A_251 = tpu.matmul %squeeze3A_247, %squeeze3A_249, %dot_general3A_250 {dimension_numbers = #tpu.dot_dimension_numbers<[1], [0], [0], [1], [0, 0, 1, 1], [], []>, transpose_lhs_hint = false} : vector<20x1024xf32>, vector<1024x20xf32>, vector<20x20xf32> -> vector<20x20xf32>
    %slice3A_252 = vector.extract_strided_slice %reduce_sum3A_70 {offsets = [9], sizes = [1], strides = [1]} : vector<16xf32> to vector<1xf32>
    %squeeze3A_253 = vector.extract %slice3A_252[0] : f32 from vector<1xf32>
    %mul3A_254 = arith.constant 5.000000e-01 : f32
    %mul3A_255 = arith.mulf %squeeze3A_253, %mul3A_254 : f32
    %mul3A_256 = arith.constant 3.140000e-01 : f32
    %mul3A_257 = arith.mulf %mul3A_255, %mul3A_256 : f32
    %div3A_258 = vector.broadcast %mul3A_257 : f32 to vector<20x20xf32>
    %div3A_259 = arith.divf %dot_general3A_251, %div3A_258 : vector<20x20xf32>
    %swap3A_260 = arith.constant 9 : index
    %swap3A_261 = arith.constant 0 : index
    %swap3A_262 = arith.constant 0 : index
    %swap3A_263 = vector.load %arg3[%swap3A_260, %swap3A_261, %swap3A_262] : memref<16x20x20xf32, #tpu.memory_space<vmem>>, vector<1x20x20xf32>
    %swap3A_264 = vector.shape_cast %swap3A_263 : vector<1x20x20xf32> to vector<20x20xf32>
    %swap3A_265 = vector.shape_cast %div3A_259 : vector<20x20xf32> to vector<1x20x20xf32>
    tpu.vector_store %arg3[%swap3A_260, %swap3A_261, %swap3A_262], %swap3A_265 {strides = array<i32>} : memref<16x20x20xf32, #tpu.memory_space<vmem>>, vector<1x20x20xf32>,
    %slice3A_266 = vector.extract_strided_slice %select_n3A {offsets = [10, 0, 0], sizes = [1, 20, 1024], strides = [1, 1, 1]} : vector<16x20x1024xf32> to vector<1x20x1024xf32>
    %squeeze3A_267 = vector.shape_cast %slice3A_266 : vector<1x20x1024xf32> to vector<20x1024xf32>
    %slice3A_268 = vector.extract_strided_slice %select_n3A_69 {offsets = [10, 0, 0], sizes = [1, 1024, 20], strides = [1, 1, 1]} : vector<16x1024x20xf32> to vector<1x1024x20xf32>
    %squeeze3A_269 = vector.shape_cast %slice3A_268 : vector<1x1024x20xf32> to vector<1024x20xf32>
    %dot_general3A_270 = arith.constant dense<0.000000e+00> : vector<20x20xf32>
    %dot_general3A_271 = tpu.matmul %squeeze3A_267, %squeeze3A_269, %dot_general3A_270 {dimension_numbers = #tpu.dot_dimension_numbers<[1], [0], [0], [1], [0, 0, 1, 1], [], []>, transpose_lhs_hint = false} : vector<20x1024xf32>, vector<1024x20xf32>, vector<20x20xf32> -> vector<20x20xf32>
    %slice3A_272 = vector.extract_strided_slice %reduce_sum3A_70 {offsets = [10], sizes = [1], strides = [1]} : vector<16xf32> to vector<1xf32>
    %squeeze3A_273 = vector.extract %slice3A_272[0] : f32 from vector<1xf32>
    %mul3A_274 = arith.constant 5.000000e-01 : f32
    %mul3A_275 = arith.mulf %squeeze3A_273, %mul3A_274 : f32
    %mul3A_276 = arith.constant 3.140000e-01 : f32
    %mul3A_277 = arith.mulf %mul3A_275, %mul3A_276 : f32
    %div3A_278 = vector.broadcast %mul3A_277 : f32 to vector<20x20xf32>
    %div3A_279 = arith.divf %dot_general3A_271, %div3A_278 : vector<20x20xf32>
    %swap3A_280 = arith.constant 10 : index
    %swap3A_281 = arith.constant 0 : index
    %swap3A_282 = arith.constant 0 : index
    %swap3A_283 = vector.load %arg3[%swap3A_280, %swap3A_281, %swap3A_282] : memref<16x20x20xf32, #tpu.memory_space<vmem>>, vector<1x20x20xf32>
    %swap3A_284 = vector.shape_cast %swap3A_283 : vector<1x20x20xf32> to vector<20x20xf32>
    %swap3A_285 = vector.shape_cast %div3A_279 : vector<20x20xf32> to vector<1x20x20xf32>
    tpu.vector_store %arg3[%swap3A_280, %swap3A_281, %swap3A_282], %swap3A_285 {strides = array<i32>} : memref<16x20x20xf32, #tpu.memory_space<vmem>>, vector<1x20x20xf32>,
    %slice3A_286 = vector.extract_strided_slice %select_n3A {offsets = [11, 0, 0], sizes = [1, 20, 1024], strides = [1, 1, 1]} : vector<16x20x1024xf32> to vector<1x20x1024xf32>
    %squeeze3A_287 = vector.shape_cast %slice3A_286 : vector<1x20x1024xf32> to vector<20x1024xf32>
    %slice3A_288 = vector.extract_strided_slice %select_n3A_69 {offsets = [11, 0, 0], sizes = [1, 1024, 20], strides = [1, 1, 1]} : vector<16x1024x20xf32> to vector<1x1024x20xf32>
    %squeeze3A_289 = vector.shape_cast %slice3A_288 : vector<1x1024x20xf32> to vector<1024x20xf32>
    %dot_general3A_290 = arith.constant dense<0.000000e+00> : vector<20x20xf32>
    %dot_general3A_291 = tpu.matmul %squeeze3A_287, %squeeze3A_289, %dot_general3A_290 {dimension_numbers = #tpu.dot_dimension_numbers<[1], [0], [0], [1], [0, 0, 1, 1], [], []>, transpose_lhs_hint = false} : vector<20x1024xf32>, vector<1024x20xf32>, vector<20x20xf32> -> vector<20x20xf32>
    %slice3A_292 = vector.extract_strided_slice %reduce_sum3A_70 {offsets = [11], sizes = [1], strides = [1]} : vector<16xf32> to vector<1xf32>
    %squeeze3A_293 = vector.extract %slice3A_292[0] : f32 from vector<1xf32>
    %mul3A_294 = arith.constant 5.000000e-01 : f32
    %mul3A_295 = arith.mulf %squeeze3A_293, %mul3A_294 : f32
    %mul3A_296 = arith.constant 3.140000e-01 : f32
    %mul3A_297 = arith.mulf %mul3A_295, %mul3A_296 : f32
    %div3A_298 = vector.broadcast %mul3A_297 : f32 to vector<20x20xf32>
    %div3A_299 = arith.divf %dot_general3A_291, %div3A_298 : vector<20x20xf32>
    %swap3A_300 = arith.constant 11 : index
    %swap3A_301 = arith.constant 0 : index
    %swap3A_302 = arith.constant 0 : index
    %swap3A_303 = vector.load %arg3[%swap3A_300, %swap3A_301, %swap3A_302] : memref<16x20x20xf32, #tpu.memory_space<vmem>>, vector<1x20x20xf32>
    %swap3A_304 = vector.shape_cast %swap3A_303 : vector<1x20x20xf32> to vector<20x20xf32>
    %swap3A_305 = vector.shape_cast %div3A_299 : vector<20x20xf32> to vector<1x20x20xf32>
    tpu.vector_store %arg3[%swap3A_300, %swap3A_301, %swap3A_302], %swap3A_305 {strides = array<i32>} : memref<16x20x20xf32, #tpu.memory_space<vmem>>, vector<1x20x20xf32>,
    %slice3A_306 = vector.extract_strided_slice %select_n3A {offsets = [12, 0, 0], sizes = [1, 20, 1024], strides = [1, 1, 1]} : vector<16x20x1024xf32> to vector<1x20x1024xf32>
    %squeeze3A_307 = vector.shape_cast %slice3A_306 : vector<1x20x1024xf32> to vector<20x1024xf32>
    %slice3A_308 = vector.extract_strided_slice %select_n3A_69 {offsets = [12, 0, 0], sizes = [1, 1024, 20], strides = [1, 1, 1]} : vector<16x1024x20xf32> to vector<1x1024x20xf32>
    %squeeze3A_309 = vector.shape_cast %slice3A_308 : vector<1x1024x20xf32> to vector<1024x20xf32>
    %dot_general3A_310 = arith.constant dense<0.000000e+00> : vector<20x20xf32>
    %dot_general3A_311 = tpu.matmul %squeeze3A_307, %squeeze3A_309, %dot_general3A_310 {dimension_numbers = #tpu.dot_dimension_numbers<[1], [0], [0], [1], [0, 0, 1, 1], [], []>, transpose_lhs_hint = false} : vector<20x1024xf32>, vector<1024x20xf32>, vector<20x20xf32> -> vector<20x20xf32>
    %slice3A_312 = vector.extract_strided_slice %reduce_sum3A_70 {offsets = [12], sizes = [1], strides = [1]} : vector<16xf32> to vector<1xf32>
    %squeeze3A_313 = vector.extract %slice3A_312[0] : f32 from vector<1xf32>
    %mul3A_314 = arith.constant 5.000000e-01 : f32
    %mul3A_315 = arith.mulf %squeeze3A_313, %mul3A_314 : f32
    %mul3A_316 = arith.constant 3.140000e-01 : f32
    %mul3A_317 = arith.mulf %mul3A_315, %mul3A_316 : f32
    %div3A_318 = vector.broadcast %mul3A_317 : f32 to vector<20x20xf32>
    %div3A_319 = arith.divf %dot_general3A_311, %div3A_318 : vector<20x20xf32>
    %swap3A_320 = arith.constant 12 : index
    %swap3A_321 = arith.constant 0 : index
    %swap3A_322 = arith.constant 0 : index
    %swap3A_323 = vector.load %arg3[%swap3A_320, %swap3A_321, %swap3A_322] : memref<16x20x20xf32, #tpu.memory_space<vmem>>, vector<1x20x20xf32>
    %swap3A_324 = vector.shape_cast %swap3A_323 : vector<1x20x20xf32> to vector<20x20xf32>
    %swap3A_325 = vector.shape_cast %div3A_319 : vector<20x20xf32> to vector<1x20x20xf32>
    tpu.vector_store %arg3[%swap3A_320, %swap3A_321, %swap3A_322], %swap3A_325 {strides = array<i32>} : memref<16x20x20xf32, #tpu.memory_space<vmem>>, vector<1x20x20xf32>,
    %slice3A_326 = vector.extract_strided_slice %select_n3A {offsets = [13, 0, 0], sizes = [1, 20, 1024], strides = [1, 1, 1]} : vector<16x20x1024xf32> to vector<1x20x1024xf32>
    %squeeze3A_327 = vector.shape_cast %slice3A_326 : vector<1x20x1024xf32> to vector<20x1024xf32>
    %slice3A_328 = vector.extract_strided_slice %select_n3A_69 {offsets = [13, 0, 0], sizes = [1, 1024, 20], strides = [1, 1, 1]} : vector<16x1024x20xf32> to vector<1x1024x20xf32>
    %squeeze3A_329 = vector.shape_cast %slice3A_328 : vector<1x1024x20xf32> to vector<1024x20xf32>
    %dot_general3A_330 = arith.constant dense<0.000000e+00> : vector<20x20xf32>
    %dot_general3A_331 = tpu.matmul %squeeze3A_327, %squeeze3A_329, %dot_general3A_330 {dimension_numbers = #tpu.dot_dimension_numbers<[1], [0], [0], [1], [0, 0, 1, 1], [], []>, transpose_lhs_hint = false} : vector<20x1024xf32>, vector<1024x20xf32>, vector<20x20xf32> -> vector<20x20xf32>
    %slice3A_332 = vector.extract_strided_slice %reduce_sum3A_70 {offsets = [13], sizes = [1], strides = [1]} : vector<16xf32> to vector<1xf32>
    %squeeze3A_333 = vector.extract %slice3A_332[0] : f32 from vector<1xf32>
    %mul3A_334 = arith.constant 5.000000e-01 : f32
    %mul3A_335 = arith.mulf %squeeze3A_333, %mul3A_334 : f32
    %mul3A_336 = arith.constant 3.140000e-01 : f32
    %mul3A_337 = arith.mulf %mul3A_335, %mul3A_336 : f32
    %div3A_338 = vector.broadcast %mul3A_337 : f32 to vector<20x20xf32>
    %div3A_339 = arith.divf %dot_general3A_331, %div3A_338 : vector<20x20xf32>
    %swap3A_340 = arith.constant 13 : index
    %swap3A_341 = arith.constant 0 : index
    %swap3A_342 = arith.constant 0 : index
    %swap3A_343 = vector.load %arg3[%swap3A_340, %swap3A_341, %swap3A_342] : memref<16x20x20xf32, #tpu.memory_space<vmem>>, vector<1x20x20xf32>
    %swap3A_344 = vector.shape_cast %swap3A_343 : vector<1x20x20xf32> to vector<20x20xf32>
    %swap3A_345 = vector.shape_cast %div3A_339 : vector<20x20xf32> to vector<1x20x20xf32>
    tpu.vector_store %arg3[%swap3A_340, %swap3A_341, %swap3A_342], %swap3A_345 {strides = array<i32>} : memref<16x20x20xf32, #tpu.memory_space<vmem>>, vector<1x20x20xf32>,
    %slice3A_346 = vector.extract_strided_slice %select_n3A {offsets = [14, 0, 0], sizes = [1, 20, 1024], strides = [1, 1, 1]} : vector<16x20x1024xf32> to vector<1x20x1024xf32>
    %squeeze3A_347 = vector.shape_cast %slice3A_346 : vector<1x20x1024xf32> to vector<20x1024xf32>
    %slice3A_348 = vector.extract_strided_slice %select_n3A_69 {offsets = [14, 0, 0], sizes = [1, 1024, 20], strides = [1, 1, 1]} : vector<16x1024x20xf32> to vector<1x1024x20xf32>
    %squeeze3A_349 = vector.shape_cast %slice3A_348 : vector<1x1024x20xf32> to vector<1024x20xf32>
    %dot_general3A_350 = arith.constant dense<0.000000e+00> : vector<20x20xf32>
    %dot_general3A_351 = tpu.matmul %squeeze3A_347, %squeeze3A_349, %dot_general3A_350 {dimension_numbers = #tpu.dot_dimension_numbers<[1], [0], [0], [1], [0, 0, 1, 1], [], []>, transpose_lhs_hint = false} : vector<20x1024xf32>, vector<1024x20xf32>, vector<20x20xf32> -> vector<20x20xf32>
    %slice3A_352 = vector.extract_strided_slice %reduce_sum3A_70 {offsets = [14], sizes = [1], strides = [1]} : vector<16xf32> to vector<1xf32>
    %squeeze3A_353 = vector.extract %slice3A_352[0] : f32 from vector<1xf32>
    %mul3A_354 = arith.constant 5.000000e-01 : f32
    %mul3A_355 = arith.mulf %squeeze3A_353, %mul3A_354 : f32
    %mul3A_356 = arith.constant 3.140000e-01 : f32
    %mul3A_357 = arith.mulf %mul3A_355, %mul3A_356 : f32
    %div3A_358 = vector.broadcast %mul3A_357 : f32 to vector<20x20xf32>
    %div3A_359 = arith.divf %dot_general3A_351, %div3A_358 : vector<20x20xf32>
    %swap3A_360 = arith.constant 14 : index
    %swap3A_361 = arith.constant 0 : index
    %swap3A_362 = arith.constant 0 : index
    %swap3A_363 = vector.load %arg3[%swap3A_360, %swap3A_361, %swap3A_362] : memref<16x20x20xf32, #tpu.memory_space<vmem>>, vector<1x20x20xf32>
    %swap3A_364 = vector.shape_cast %swap3A_363 : vector<1x20x20xf32> to vector<20x20xf32>
    %swap3A_365 = vector.shape_cast %div3A_359 : vector<20x20xf32> to vector<1x20x20xf32>
    tpu.vector_store %arg3[%swap3A_360, %swap3A_361, %swap3A_362], %swap3A_365 {strides = array<i32>} : memref<16x20x20xf32, #tpu.memory_space<vmem>>, vector<1x20x20xf32>,
    %slice3A_366 = vector.extract_strided_slice %select_n3A {offsets = [15, 0, 0], sizes = [1, 20, 1024], strides = [1, 1, 1]} : vector<16x20x1024xf32> to vector<1x20x1024xf32>
    %squeeze3A_367 = vector.shape_cast %slice3A_366 : vector<1x20x1024xf32> to vector<20x1024xf32>
    %slice3A_368 = vector.extract_strided_slice %select_n3A_69 {offsets = [15, 0, 0], sizes = [1, 1024, 20], strides = [1, 1, 1]} : vector<16x1024x20xf32> to vector<1x1024x20xf32>
    %squeeze3A_369 = vector.shape_cast %slice3A_368 : vector<1x1024x20xf32> to vector<1024x20xf32>
    %dot_general3A_370 = arith.constant dense<0.000000e+00> : vector<20x20xf32>
    %dot_general3A_371 = tpu.matmul %squeeze3A_367, %squeeze3A_369, %dot_general3A_370 {dimension_numbers = #tpu.dot_dimension_numbers<[1], [0], [0], [1], [0, 0, 1, 1], [], []>, transpose_lhs_hint = false} : vector<20x1024xf32>, vector<1024x20xf32>, vector<20x20xf32> -> vector<20x20xf32>
    %slice3A_372 = vector.extract_strided_slice %reduce_sum3A_70 {offsets = [15], sizes = [1], strides = [1]} : vector<16xf32> to vector<1xf32>
    %squeeze3A_373 = vector.extract %slice3A_372[0] : f32 from vector<1xf32>
    %mul3A_374 = arith.constant 5.000000e-01 : f32
    %mul3A_375 = arith.mulf %squeeze3A_373, %mul3A_374 : f32
    %mul3A_376 = arith.constant 3.140000e-01 : f32
    %mul3A_377 = arith.mulf %mul3A_375, %mul3A_376 : f32
    %div3A_378 = vector.broadcast %mul3A_377 : f32 to vector<20x20xf32>
    %div3A_379 = arith.divf %dot_general3A_371, %div3A_378 : vector<20x20xf32>
    %swap3A_380 = arith.constant 15 : index
    %swap3A_381 = arith.constant 0 : index
    %swap3A_382 = arith.constant 0 : index
    %swap3A_383 = vector.load %arg3[%swap3A_380, %swap3A_381, %swap3A_382] : memref<16x20x20xf32, #tpu.memory_space<vmem>>, vector<1x20x20xf32>
    %swap3A_384 = vector.shape_cast %swap3A_383 : vector<1x20x20xf32> to vector<20x20xf32>
    %swap3A_385 = vector.shape_cast %div3A_379 : vector<20x20xf32> to vector<1x20x20xf32>
    tpu.vector_store %arg3[%swap3A_380, %swap3A_381, %swap3A_382], %swap3A_385 {strides = array<i32>} : memref<16x20x20xf32, #tpu.memory_space<vmem>>, vector<1x20x20xf32>,
    return
  }
  func.func @transform_0(%arg0: i32) -> (i32, i32) {
    %c0_i32 = arith.constant 0 : i32
    %c0_i32_0 = arith.constant 0 : i32
    return %arg0, %c0_i32 : i32, i32
  }
  func.func @transform_1(%arg0: i32) -> (i32, i32) {
    %c0_i32 = arith.constant 0 : i32
    %c0_i32_0 = arith.constant 0 : i32
    %c0_i32_1 = arith.constant 0 : i32
    return %c0_i32, %c0_i32_0 : i32, i32
  }
  func.func @transform_2(%arg0: i32) -> (i32, i32, i32) {
    %c0_i32 = arith.constant 0 : i32
    %c0_i32_0 = arith.constant 0 : i32
    %c0_i32_1 = arith.constant 0 : i32
    return %arg0, %c0_i32, %c0_i32_0 : i32, i32, i32
  }
}

module attributes {stable_mosaic.version = 14 : i64} {
  func.func @_main_body(%arg0: i32, %arg1: memref<32x512xf32, #tpu.memory_space<vmem>>, %arg2: memref<8x16xf32, #tpu.memory_space<vmem>>, %arg3: memref<400x15xf32, #tpu.memory_space<vmem>>, %arg4: memref<1x15xf32, #tpu.memory_space<vmem>>, %arg5: memref<256x120xf32, #tpu.memory_space<vmem>>, %arg6: memref<15x120xf32, #tpu.memory_space<vmem>>, %arg7: memref<120x8xf32, #tpu.memory_space<vmem>>, %arg8: memref<1x8xf32, #tpu.memory_space<vmem>>, %arg9: memref<8x8xf32, #tpu.memory_space<vmem>>, %arg10: memref<16x400xf32, #tpu.memory_space<vmem>>, %arg11: memref<16x400xf32, #tpu.memory_space<vmem>>) attributes {dimension_semantics = [#tpu.dimension_semantics<arbitrary>], iteration_bounds = array<i64: 256>, scalar_prefetch = 0 : i64, scratch_operands = 2 : i64, tpu.core_type = #tpu.core_type<tc>, window_params = [{transform_indices = @transform_0, window_bounds = array<i64: 32, 512>}, {transform_indices = @transform_1, window_bounds = array<i64: 8, 16>}, {pipeline_mode = #tpu.pipeline_mode<synchronous>, transform_indices = @transform_2, window_bounds = array<i64: 400, 15>}, {pipeline_mode = #tpu.pipeline_mode<synchronous>, transform_indices = @transform_3, window_bounds = array<i64: 1, 15>}, {pipeline_mode = #tpu.pipeline_mode<synchronous>, transform_indices = @transform_4, window_bounds = array<i64: 256, 120>}, {pipeline_mode = #tpu.pipeline_mode<synchronous>, transform_indices = @transform_5, window_bounds = array<i64: 15, 120>}, {pipeline_mode = #tpu.pipeline_mode<synchronous>, transform_indices = @transform_6, window_bounds = array<i64: 120, 8>}, {pipeline_mode = #tpu.pipeline_mode<synchronous>, transform_indices = @transform_7, window_bounds = array<i64: 1, 8>}, {transform_indices = @transform_8, window_bounds = array<i64: 8, 8>}]} {
    %eq3A = arith.constant 0 : i32
    %eq3A_0 = arith.cmpi eq, %arg0, %eq3A : i32
    %convert_element_type3A = arith.extui %eq3A_0 : i1 to i32
    %cond3A = arith.constant 0 : i32
    %cond3A_1 = arith.cmpi ne, %convert_element_type3A, %cond3A : i32
    scf.if %cond3A_1 {
      %broadcast_in_dim3A_251 = arith.constant 0.000000e+00 : f32
      %broadcast_in_dim3A_252 = vector.broadcast %broadcast_in_dim3A_251 : f32 to vector<16x400xf32>
      %swap3A_253 = arith.constant 0 : index
      %swap3A_254 = arith.constant 0 : index
      %swap3A_255 = vector.load %arg10[%swap3A_253, %swap3A_254] : memref<16x400xf32, #tpu.memory_space<vmem>>, vector<16x400xf32>
      tpu.vector_store %arg10[%swap3A_253, %swap3A_254], %broadcast_in_dim3A_252 {strides = array<i32>} : memref<16x400xf32, #tpu.memory_space<vmem>>, vector<16x400xf32>,
      %broadcast_in_dim3A_256 = arith.constant 0.000000e+00 : f32
      %broadcast_in_dim3A_257 = vector.broadcast %broadcast_in_dim3A_256 : f32 to vector<16x400xf32>
      %swap3A_258 = arith.constant 0 : index
      %swap3A_259 = arith.constant 0 : index
      %swap3A_260 = vector.load %arg11[%swap3A_258, %swap3A_259] : memref<16x400xf32, #tpu.memory_space<vmem>>, vector<16x400xf32>
      tpu.vector_store %arg11[%swap3A_258, %swap3A_259], %broadcast_in_dim3A_257 {strides = array<i32>} : memref<16x400xf32, #tpu.memory_space<vmem>>, vector<16x400xf32>,
    } else {
    }
    %get3A = arith.constant 0 : index
    %get3A_2 = arith.constant 0 : index
    %get3A_3 = vector.load %arg1[%get3A, %get3A_2] : memref<32x512xf32, #tpu.memory_space<vmem>>, vector<32x512xf32>
    %slice3A = vector.extract_strided_slice %get3A_3 {offsets = [0, 0], sizes = [32, 400], strides = [1, 1]} : vector<32x512xf32> to vector<32x400xf32>
    %reshape3A = vector.shape_cast %slice3A : vector<32x400xf32> to vector<8x4x400xf32>
    %slice3A_4 = vector.extract_strided_slice %get3A_3 {offsets = [0, 400], sizes = [32, 16], strides = [1, 1]} : vector<32x512xf32> to vector<32x16xf32>
    %reshape3A_5 = vector.shape_cast %slice3A_4 : vector<32x16xf32> to vector<8x4x16xf32>
    %get3A_6 = arith.constant 0 : index
    %get3A_7 = arith.constant 0 : index
    %get3A_8 = vector.load %arg2[%get3A_6, %get3A_7] : memref<8x16xf32, #tpu.memory_space<vmem>>, vector<8x16xf32>
    %broadcast_in_dim3A = vector.shape_cast %get3A_8 : vector<8x16xf32> to vector<8x1x16xf32>
    %sub3A = vector.broadcast %broadcast_in_dim3A : vector<8x1x16xf32> to vector<8x4x16xf32>
    %sub3A_9 = arith.subf %sub3A, %reshape3A_5 : vector<8x4x16xf32>
    %broadcast_in_dim3A_10 = vector.shape_cast %sub3A_9 : vector<8x4x16xf32> to vector<8x4x16x1xf32>
    %broadcast_in_dim3A_11 = vector.shape_cast %reshape3A : vector<8x4x400xf32> to vector<8x4x1x400xf32>
    %mul3A = vector.broadcast %broadcast_in_dim3A_10 : vector<8x4x16x1xf32> to vector<8x4x16x400xf32>
    %mul3A_12 = vector.broadcast %broadcast_in_dim3A_11 : vector<8x4x1x400xf32> to vector<8x4x16x400xf32>
    %mul3A_13 = arith.mulf %mul3A, %mul3A_12 : vector<8x4x16x400xf32>
    %reduce_sum3A = arith.constant dense<0.000000e+00> : vector<8x16x400xf32>
    %reduce_sum3A_14 = vector.multi_reduction <add>, %mul3A_13, %reduce_sum3A [1] : vector<8x4x16x400xf32> to vector<8x16x400xf32>
    %get3A_15 = arith.constant 0 : index
    %get3A_16 = arith.constant 0 : index
    %get3A_17 = vector.load %arg10[%get3A_15, %get3A_16] : memref<16x400xf32, #tpu.memory_space<vmem>>, vector<16x400xf32>
    %get3A_18 = arith.constant 0 : index
    %get3A_19 = arith.constant 0 : index
    %get3A_20 = vector.load %arg11[%get3A_18, %get3A_19] : memref<16x400xf32, #tpu.memory_space<vmem>>, vector<16x400xf32>
    %transpose3A = tpu.transpose %get3A_17, [1, 0] : vector<16x400xf32> -> vector<400x16xf32>
    %slice3A_21 = vector.extract_strided_slice %reduce_sum3A_14 {offsets = [0, 0, 0], sizes = [1, 16, 400], strides = [1, 1, 1]} : vector<8x16x400xf32> to vector<1x16x400xf32>
    %squeeze3A = vector.shape_cast %slice3A_21 : vector<1x16x400xf32> to vector<16x400xf32>
    %sub3A_22 = arith.subf %squeeze3A, %get3A_20 : vector<16x400xf32>
    %add3A = arith.addf %get3A_17, %sub3A_22 : vector<16x400xf32>
    %sub3A_23 = arith.subf %add3A, %get3A_17 : vector<16x400xf32>
    %sub3A_24 = arith.subf %sub3A_23, %sub3A_22 : vector<16x400xf32>
    %transpose3A_25 = tpu.transpose %add3A, [1, 0] : vector<16x400xf32> -> vector<400x16xf32>
    %slice3A_26 = vector.extract_strided_slice %reduce_sum3A_14 {offsets = [1, 0, 0], sizes = [1, 16, 400], strides = [1, 1, 1]} : vector<8x16x400xf32> to vector<1x16x400xf32>
    %squeeze3A_27 = vector.shape_cast %slice3A_26 : vector<1x16x400xf32> to vector<16x400xf32>
    %sub3A_28 = arith.subf %squeeze3A_27, %sub3A_24 : vector<16x400xf32>
    %add3A_29 = arith.addf %add3A, %sub3A_28 : vector<16x400xf32>
    %sub3A_30 = arith.subf %add3A_29, %add3A : vector<16x400xf32>
    %sub3A_31 = arith.subf %sub3A_30, %sub3A_28 : vector<16x400xf32>
    %transpose3A_32 = tpu.transpose %add3A_29, [1, 0] : vector<16x400xf32> -> vector<400x16xf32>
    %slice3A_33 = vector.extract_strided_slice %reduce_sum3A_14 {offsets = [2, 0, 0], sizes = [1, 16, 400], strides = [1, 1, 1]} : vector<8x16x400xf32> to vector<1x16x400xf32>
    %squeeze3A_34 = vector.shape_cast %slice3A_33 : vector<1x16x400xf32> to vector<16x400xf32>
    %sub3A_35 = arith.subf %squeeze3A_34, %sub3A_31 : vector<16x400xf32>
    %add3A_36 = arith.addf %add3A_29, %sub3A_35 : vector<16x400xf32>
    %sub3A_37 = arith.subf %add3A_36, %add3A_29 : vector<16x400xf32>
    %sub3A_38 = arith.subf %sub3A_37, %sub3A_35 : vector<16x400xf32>
    %transpose3A_39 = tpu.transpose %add3A_36, [1, 0] : vector<16x400xf32> -> vector<400x16xf32>
    %slice3A_40 = vector.extract_strided_slice %reduce_sum3A_14 {offsets = [3, 0, 0], sizes = [1, 16, 400], strides = [1, 1, 1]} : vector<8x16x400xf32> to vector<1x16x400xf32>
    %squeeze3A_41 = vector.shape_cast %slice3A_40 : vector<1x16x400xf32> to vector<16x400xf32>
    %sub3A_42 = arith.subf %squeeze3A_41, %sub3A_38 : vector<16x400xf32>
    %add3A_43 = arith.addf %add3A_36, %sub3A_42 : vector<16x400xf32>
    %sub3A_44 = arith.subf %add3A_43, %add3A_36 : vector<16x400xf32>
    %sub3A_45 = arith.subf %sub3A_44, %sub3A_42 : vector<16x400xf32>
    %transpose3A_46 = tpu.transpose %add3A_43, [1, 0] : vector<16x400xf32> -> vector<400x16xf32>
    %slice3A_47 = vector.extract_strided_slice %reduce_sum3A_14 {offsets = [4, 0, 0], sizes = [1, 16, 400], strides = [1, 1, 1]} : vector<8x16x400xf32> to vector<1x16x400xf32>
    %squeeze3A_48 = vector.shape_cast %slice3A_47 : vector<1x16x400xf32> to vector<16x400xf32>
    %sub3A_49 = arith.subf %squeeze3A_48, %sub3A_45 : vector<16x400xf32>
    %add3A_50 = arith.addf %add3A_43, %sub3A_49 : vector<16x400xf32>
    %sub3A_51 = arith.subf %add3A_50, %add3A_43 : vector<16x400xf32>
    %sub3A_52 = arith.subf %sub3A_51, %sub3A_49 : vector<16x400xf32>
    %transpose3A_53 = tpu.transpose %add3A_50, [1, 0] : vector<16x400xf32> -> vector<400x16xf32>
    %slice3A_54 = vector.extract_strided_slice %reduce_sum3A_14 {offsets = [5, 0, 0], sizes = [1, 16, 400], strides = [1, 1, 1]} : vector<8x16x400xf32> to vector<1x16x400xf32>
    %squeeze3A_55 = vector.shape_cast %slice3A_54 : vector<1x16x400xf32> to vector<16x400xf32>
    %sub3A_56 = arith.subf %squeeze3A_55, %sub3A_52 : vector<16x400xf32>
    %add3A_57 = arith.addf %add3A_50, %sub3A_56 : vector<16x400xf32>
    %sub3A_58 = arith.subf %add3A_57, %add3A_50 : vector<16x400xf32>
    %sub3A_59 = arith.subf %sub3A_58, %sub3A_56 : vector<16x400xf32>
    %transpose3A_60 = tpu.transpose %add3A_57, [1, 0] : vector<16x400xf32> -> vector<400x16xf32>
    %slice3A_61 = vector.extract_strided_slice %reduce_sum3A_14 {offsets = [6, 0, 0], sizes = [1, 16, 400], strides = [1, 1, 1]} : vector<8x16x400xf32> to vector<1x16x400xf32>
    %squeeze3A_62 = vector.shape_cast %slice3A_61 : vector<1x16x400xf32> to vector<16x400xf32>
    %sub3A_63 = arith.subf %squeeze3A_62, %sub3A_59 : vector<16x400xf32>
    %add3A_64 = arith.addf %add3A_57, %sub3A_63 : vector<16x400xf32>
    %sub3A_65 = arith.subf %add3A_64, %add3A_57 : vector<16x400xf32>
    %sub3A_66 = arith.subf %sub3A_65, %sub3A_63 : vector<16x400xf32>
    %transpose3A_67 = tpu.transpose %add3A_64, [1, 0] : vector<16x400xf32> -> vector<400x16xf32>
    %slice3A_68 = vector.extract_strided_slice %reduce_sum3A_14 {offsets = [7, 0, 0], sizes = [1, 16, 400], strides = [1, 1, 1]} : vector<8x16x400xf32> to vector<1x16x400xf32>
    %squeeze3A_69 = vector.shape_cast %slice3A_68 : vector<1x16x400xf32> to vector<16x400xf32>
    %sub3A_70 = arith.subf %squeeze3A_69, %sub3A_66 : vector<16x400xf32>
    %add3A_71 = arith.addf %add3A_64, %sub3A_70 : vector<16x400xf32>
    %sub3A_72 = arith.subf %add3A_71, %add3A_64 : vector<16x400xf32>
    %sub3A_73 = arith.subf %sub3A_72, %sub3A_70 : vector<16x400xf32>
    %swap3A = arith.constant 0 : index
    %swap3A_74 = arith.constant 0 : index
    %swap3A_75 = vector.load %arg10[%swap3A, %swap3A_74] : memref<16x400xf32, #tpu.memory_space<vmem>>, vector<16x400xf32>
    tpu.vector_store %arg10[%swap3A, %swap3A_74], %add3A_71 {strides = array<i32>} : memref<16x400xf32, #tpu.memory_space<vmem>>, vector<16x400xf32>,
    %swap3A_76 = arith.constant 0 : index
    %swap3A_77 = arith.constant 0 : index
    %swap3A_78 = vector.load %arg11[%swap3A_76, %swap3A_77] : memref<16x400xf32, #tpu.memory_space<vmem>>, vector<16x400xf32>
    tpu.vector_store %arg11[%swap3A_76, %swap3A_77], %sub3A_73 {strides = array<i32>} : memref<16x400xf32, #tpu.memory_space<vmem>>, vector<16x400xf32>,
    %stack3A = vector.shape_cast %transpose3A : vector<400x16xf32> to vector<1x400x16xf32>
    %stack3A_79 = vector.shape_cast %transpose3A_25 : vector<400x16xf32> to vector<1x400x16xf32>
    %stack3A_80 = vector.shape_cast %transpose3A_32 : vector<400x16xf32> to vector<1x400x16xf32>
    %stack3A_81 = vector.shape_cast %transpose3A_39 : vector<400x16xf32> to vector<1x400x16xf32>
    %stack3A_82 = vector.shape_cast %transpose3A_46 : vector<400x16xf32> to vector<1x400x16xf32>
    %stack3A_83 = vector.shape_cast %transpose3A_53 : vector<400x16xf32> to vector<1x400x16xf32>
    %stack3A_84 = vector.shape_cast %transpose3A_60 : vector<400x16xf32> to vector<1x400x16xf32>
    %stack3A_85 = vector.shape_cast %transpose3A_67 : vector<400x16xf32> to vector<1x400x16xf32>
    %stack3A_86 = tpu.concatenate %stack3A, %stack3A_79, %stack3A_80, %stack3A_81, %stack3A_82, %stack3A_83, %stack3A_84, %stack3A_85 in 0 : vector<1x400x16xf32>, vector<1x400x16xf32>, vector<1x400x16xf32>, vector<1x400x16xf32>, vector<1x400x16xf32>, vector<1x400x16xf32>, vector<1x400x16xf32>, vector<1x400x16xf32> -> vector<8x400x16xf32>
    %reshape3A_87 = vector.shape_cast %stack3A_86 : vector<8x400x16xf32> to vector<8x20x20x16xf32>
    %slice3A_88 = vector.extract_strided_slice %reshape3A_87 {offsets = [0, 0, 0, 0], sizes = [8, 16, 16, 16], strides = [1, 1, 1, 1]} : vector<8x20x20x16xf32> to vector<8x16x16x16xf32>
    %reshape3A_89 = vector.shape_cast %slice3A_88 : vector<8x16x16x16xf32> to vector<8x256x16xf32>
    %slice3A_90 = vector.extract_strided_slice %reshape3A_87 {offsets = [0, 0, 1, 0], sizes = [8, 16, 16, 16], strides = [1, 1, 1, 1]} : vector<8x20x20x16xf32> to vector<8x16x16x16xf32>
    %reshape3A_91 = vector.shape_cast %slice3A_90 : vector<8x16x16x16xf32> to vector<8x256x16xf32>
    %slice3A_92 = vector.extract_strided_slice %reshape3A_87 {offsets = [0, 0, 2, 0], sizes = [8, 16, 16, 16], strides = [1, 1, 1, 1]} : vector<8x20x20x16xf32> to vector<8x16x16x16xf32>
    %reshape3A_93 = vector.shape_cast %slice3A_92 : vector<8x16x16x16xf32> to vector<8x256x16xf32>
    %slice3A_94 = vector.extract_strided_slice %reshape3A_87 {offsets = [0, 0, 3, 0], sizes = [8, 16, 16, 16], strides = [1, 1, 1, 1]} : vector<8x20x20x16xf32> to vector<8x16x16x16xf32>
    %reshape3A_95 = vector.shape_cast %slice3A_94 : vector<8x16x16x16xf32> to vector<8x256x16xf32>
    %slice3A_96 = vector.extract_strided_slice %reshape3A_87 {offsets = [0, 0, 4, 0], sizes = [8, 16, 16, 16], strides = [1, 1, 1, 1]} : vector<8x20x20x16xf32> to vector<8x16x16x16xf32>
    %reshape3A_97 = vector.shape_cast %slice3A_96 : vector<8x16x16x16xf32> to vector<8x256x16xf32>
    %slice3A_98 = vector.extract_strided_slice %reshape3A_87 {offsets = [0, 1, 0, 0], sizes = [8, 16, 16, 16], strides = [1, 1, 1, 1]} : vector<8x20x20x16xf32> to vector<8x16x16x16xf32>
    %reshape3A_99 = vector.shape_cast %slice3A_98 : vector<8x16x16x16xf32> to vector<8x256x16xf32>
    %slice3A_100 = vector.extract_strided_slice %reshape3A_87 {offsets = [0, 1, 1, 0], sizes = [8, 16, 16, 16], strides = [1, 1, 1, 1]} : vector<8x20x20x16xf32> to vector<8x16x16x16xf32>
    %reshape3A_101 = vector.shape_cast %slice3A_100 : vector<8x16x16x16xf32> to vector<8x256x16xf32>
    %slice3A_102 = vector.extract_strided_slice %reshape3A_87 {offsets = [0, 1, 2, 0], sizes = [8, 16, 16, 16], strides = [1, 1, 1, 1]} : vector<8x20x20x16xf32> to vector<8x16x16x16xf32>
    %reshape3A_103 = vector.shape_cast %slice3A_102 : vector<8x16x16x16xf32> to vector<8x256x16xf32>
    %slice3A_104 = vector.extract_strided_slice %reshape3A_87 {offsets = [0, 1, 3, 0], sizes = [8, 16, 16, 16], strides = [1, 1, 1, 1]} : vector<8x20x20x16xf32> to vector<8x16x16x16xf32>
    %reshape3A_105 = vector.shape_cast %slice3A_104 : vector<8x16x16x16xf32> to vector<8x256x16xf32>
    %slice3A_106 = vector.extract_strided_slice %reshape3A_87 {offsets = [0, 1, 4, 0], sizes = [8, 16, 16, 16], strides = [1, 1, 1, 1]} : vector<8x20x20x16xf32> to vector<8x16x16x16xf32>
    %reshape3A_107 = vector.shape_cast %slice3A_106 : vector<8x16x16x16xf32> to vector<8x256x16xf32>
    %slice3A_108 = vector.extract_strided_slice %reshape3A_87 {offsets = [0, 2, 0, 0], sizes = [8, 16, 16, 16], strides = [1, 1, 1, 1]} : vector<8x20x20x16xf32> to vector<8x16x16x16xf32>
    %reshape3A_109 = vector.shape_cast %slice3A_108 : vector<8x16x16x16xf32> to vector<8x256x16xf32>
    %slice3A_110 = vector.extract_strided_slice %reshape3A_87 {offsets = [0, 2, 1, 0], sizes = [8, 16, 16, 16], strides = [1, 1, 1, 1]} : vector<8x20x20x16xf32> to vector<8x16x16x16xf32>
    %reshape3A_111 = vector.shape_cast %slice3A_110 : vector<8x16x16x16xf32> to vector<8x256x16xf32>
    %slice3A_112 = vector.extract_strided_slice %reshape3A_87 {offsets = [0, 2, 2, 0], sizes = [8, 16, 16, 16], strides = [1, 1, 1, 1]} : vector<8x20x20x16xf32> to vector<8x16x16x16xf32>
    %reshape3A_113 = vector.shape_cast %slice3A_112 : vector<8x16x16x16xf32> to vector<8x256x16xf32>
    %slice3A_114 = vector.extract_strided_slice %reshape3A_87 {offsets = [0, 2, 3, 0], sizes = [8, 16, 16, 16], strides = [1, 1, 1, 1]} : vector<8x20x20x16xf32> to vector<8x16x16x16xf32>
    %reshape3A_115 = vector.shape_cast %slice3A_114 : vector<8x16x16x16xf32> to vector<8x256x16xf32>
    %slice3A_116 = vector.extract_strided_slice %reshape3A_87 {offsets = [0, 2, 4, 0], sizes = [8, 16, 16, 16], strides = [1, 1, 1, 1]} : vector<8x20x20x16xf32> to vector<8x16x16x16xf32>
    %reshape3A_117 = vector.shape_cast %slice3A_116 : vector<8x16x16x16xf32> to vector<8x256x16xf32>
    %slice3A_118 = vector.extract_strided_slice %reshape3A_87 {offsets = [0, 3, 0, 0], sizes = [8, 16, 16, 16], strides = [1, 1, 1, 1]} : vector<8x20x20x16xf32> to vector<8x16x16x16xf32>
    %reshape3A_119 = vector.shape_cast %slice3A_118 : vector<8x16x16x16xf32> to vector<8x256x16xf32>
    %slice3A_120 = vector.extract_strided_slice %reshape3A_87 {offsets = [0, 3, 1, 0], sizes = [8, 16, 16, 16], strides = [1, 1, 1, 1]} : vector<8x20x20x16xf32> to vector<8x16x16x16xf32>
    %reshape3A_121 = vector.shape_cast %slice3A_120 : vector<8x16x16x16xf32> to vector<8x256x16xf32>
    %slice3A_122 = vector.extract_strided_slice %reshape3A_87 {offsets = [0, 3, 2, 0], sizes = [8, 16, 16, 16], strides = [1, 1, 1, 1]} : vector<8x20x20x16xf32> to vector<8x16x16x16xf32>
    %reshape3A_123 = vector.shape_cast %slice3A_122 : vector<8x16x16x16xf32> to vector<8x256x16xf32>
    %slice3A_124 = vector.extract_strided_slice %reshape3A_87 {offsets = [0, 3, 3, 0], sizes = [8, 16, 16, 16], strides = [1, 1, 1, 1]} : vector<8x20x20x16xf32> to vector<8x16x16x16xf32>
    %reshape3A_125 = vector.shape_cast %slice3A_124 : vector<8x16x16x16xf32> to vector<8x256x16xf32>
    %slice3A_126 = vector.extract_strided_slice %reshape3A_87 {offsets = [0, 3, 4, 0], sizes = [8, 16, 16, 16], strides = [1, 1, 1, 1]} : vector<8x20x20x16xf32> to vector<8x16x16x16xf32>
    %reshape3A_127 = vector.shape_cast %slice3A_126 : vector<8x16x16x16xf32> to vector<8x256x16xf32>
    %slice3A_128 = vector.extract_strided_slice %reshape3A_87 {offsets = [0, 4, 0, 0], sizes = [8, 16, 16, 16], strides = [1, 1, 1, 1]} : vector<8x20x20x16xf32> to vector<8x16x16x16xf32>
    %reshape3A_129 = vector.shape_cast %slice3A_128 : vector<8x16x16x16xf32> to vector<8x256x16xf32>
    %slice3A_130 = vector.extract_strided_slice %reshape3A_87 {offsets = [0, 4, 1, 0], sizes = [8, 16, 16, 16], strides = [1, 1, 1, 1]} : vector<8x20x20x16xf32> to vector<8x16x16x16xf32>
    %reshape3A_131 = vector.shape_cast %slice3A_130 : vector<8x16x16x16xf32> to vector<8x256x16xf32>
    %slice3A_132 = vector.extract_strided_slice %reshape3A_87 {offsets = [0, 4, 2, 0], sizes = [8, 16, 16, 16], strides = [1, 1, 1, 1]} : vector<8x20x20x16xf32> to vector<8x16x16x16xf32>
    %reshape3A_133 = vector.shape_cast %slice3A_132 : vector<8x16x16x16xf32> to vector<8x256x16xf32>
    %slice3A_134 = vector.extract_strided_slice %reshape3A_87 {offsets = [0, 4, 3, 0], sizes = [8, 16, 16, 16], strides = [1, 1, 1, 1]} : vector<8x20x20x16xf32> to vector<8x16x16x16xf32>
    %reshape3A_135 = vector.shape_cast %slice3A_134 : vector<8x16x16x16xf32> to vector<8x256x16xf32>
    %slice3A_136 = vector.extract_strided_slice %reshape3A_87 {offsets = [0, 4, 4, 0], sizes = [8, 16, 16, 16], strides = [1, 1, 1, 1]} : vector<8x20x20x16xf32> to vector<8x16x16x16xf32>
    %reshape3A_137 = vector.shape_cast %slice3A_136 : vector<8x16x16x16xf32> to vector<8x256x16xf32>
    %concatenate3A = tpu.concatenate %reshape3A_89, %reshape3A_91, %reshape3A_93, %reshape3A_95, %reshape3A_97, %reshape3A_99, %reshape3A_101, %reshape3A_103, %reshape3A_105, %reshape3A_107, %reshape3A_109, %reshape3A_111, %reshape3A_113, %reshape3A_115, %reshape3A_117, %reshape3A_119, %reshape3A_121, %reshape3A_123, %reshape3A_125, %reshape3A_127, %reshape3A_129, %reshape3A_131, %reshape3A_133, %reshape3A_135, %reshape3A_137 in 2 : vector<8x256x16xf32>, vector<8x256x16xf32>, vector<8x256x16xf32>, vector<8x256x16xf32>, vector<8x256x16xf32>, vector<8x256x16xf32>, vector<8x256x16xf32>, vector<8x256x16xf32>, vector<8x256x16xf32>, vector<8x256x16xf32>, vector<8x256x16xf32>, vector<8x256x16xf32>, vector<8x256x16xf32>, vector<8x256x16xf32>, vector<8x256x16xf32>, vector<8x256x16xf32>, vector<8x256x16xf32>, vector<8x256x16xf32>, vector<8x256x16xf32>, vector<8x256x16xf32>, vector<8x256x16xf32>, vector<8x256x16xf32>, vector<8x256x16xf32>, vector<8x256x16xf32>, vector<8x256x16xf32> -> vector<8x256x400xf32>
    %reshape3A_138 = vector.shape_cast %concatenate3A : vector<8x256x400xf32> to vector<2048x400xf32>
    %get3A_139 = arith.constant 0 : index
    %get3A_140 = arith.constant 0 : index
    %get3A_141 = vector.load %arg3[%get3A_139, %get3A_140] : memref<400x15xf32, #tpu.memory_space<vmem>>, vector<400x15xf32>
    %dot_general3A = arith.constant dense<0.000000e+00> : vector<2048x15xf32>
    %dot_general3A_142 = tpu.matmul %reshape3A_138, %get3A_141, %dot_general3A {dimension_numbers = #tpu.dot_dimension_numbers<[1], [0], [0], [1], [0, 0, 1, 1], [], []>, transpose_lhs_hint = false} : vector<2048x400xf32>, vector<400x15xf32>, vector<2048x15xf32> -> vector<2048x15xf32>
    %get3A_143 = arith.constant 0 : index
    %get3A_144 = arith.constant 0 : index
    %get3A_145 = vector.load %arg4[%get3A_143, %get3A_144] : memref<1x15xf32, #tpu.memory_space<vmem>>, vector<1x15xf32>
    %get3A_146 = vector.shape_cast %get3A_145 : vector<1x15xf32> to vector<15xf32>
    %broadcast_in_dim3A_147 = vector.shape_cast %get3A_146 : vector<15xf32> to vector<1x15xf32>
    %add3A_148 = vector.broadcast %broadcast_in_dim3A_147 : vector<1x15xf32> to vector<2048x15xf32>
    %add3A_149 = arith.addf %dot_general3A_142, %add3A_148 : vector<2048x15xf32>
    %tanh3A = math.tanh %add3A_149 : vector<2048x15xf32>
    %reshape3A_150 = vector.shape_cast %tanh3A : vector<2048x15xf32> to vector<8x256x15xf32>
    %get3A_151 = arith.constant 0 : index
    %get3A_152 = arith.constant 0 : index
    %get3A_153 = vector.load %arg5[%get3A_151, %get3A_152] : memref<256x120xf32, #tpu.memory_space<vmem>>, vector<256x120xf32>
    %get3A_154 = arith.constant 0 : index
    %get3A_155 = arith.constant 0 : index
    %get3A_156 = vector.load %arg6[%get3A_154, %get3A_155] : memref<15x120xf32, #tpu.memory_space<vmem>>, vector<15x120xf32>
    %get3A_157 = arith.constant 0 : index
    %get3A_158 = arith.constant 0 : index
    %get3A_159 = vector.load %arg7[%get3A_157, %get3A_158] : memref<120x8xf32, #tpu.memory_space<vmem>>, vector<120x8xf32>
    %slice3A_160 = vector.extract_strided_slice %reshape3A_150 {offsets = [0, 0, 0], sizes = [1, 256, 15], strides = [1, 1, 1]} : vector<8x256x15xf32> to vector<1x256x15xf32>
    %squeeze3A_161 = vector.shape_cast %slice3A_160 : vector<1x256x15xf32> to vector<256x15xf32>
    %dot_general3A_162 = arith.constant dense<0.000000e+00> : vector<15x120xf32>
    %dot_general3A_163 = tpu.matmul %squeeze3A_161, %get3A_153, %dot_general3A_162 {dimension_numbers = #tpu.dot_dimension_numbers<[0], [0], [1], [1], [0, 1, 1, 1], [], []>, transpose_lhs_hint = false} : vector<256x15xf32>, vector<256x120xf32>, vector<15x120xf32> -> vector<15x120xf32>
    %mul3A_164 = arith.mulf %dot_general3A_163, %get3A_156 : vector<15x120xf32>
    %dot_general3A_165 = arith.constant dense<0.000000e+00> : vector<15x8xf32>
    %dot_general3A_166 = tpu.matmul %mul3A_164, %get3A_159, %dot_general3A_165 {dimension_numbers = #tpu.dot_dimension_numbers<[1], [0], [0], [1], [0, 0, 1, 1], [], []>, transpose_lhs_hint = false} : vector<15x120xf32>, vector<120x8xf32>, vector<15x8xf32> -> vector<15x8xf32>
    %reduce_sum3A_167 = arith.constant dense<0.000000e+00> : vector<8xf32>
    %reduce_sum3A_168 = vector.multi_reduction <add>, %dot_general3A_166, %reduce_sum3A_167 [0] : vector<15x8xf32> to vector<8xf32>
    %slice3A_169 = vector.extract_strided_slice %reshape3A_150 {offsets = [1, 0, 0], sizes = [1, 256, 15], strides = [1, 1, 1]} : vector<8x256x15xf32> to vector<1x256x15xf32>
    %squeeze3A_170 = vector.shape_cast %slice3A_169 : vector<1x256x15xf32> to vector<256x15xf32>
    %dot_general3A_171 = arith.constant dense<0.000000e+00> : vector<15x120xf32>
    %dot_general3A_172 = tpu.matmul %squeeze3A_170, %get3A_153, %dot_general3A_171 {dimension_numbers = #tpu.dot_dimension_numbers<[0], [0], [1], [1], [0, 1, 1, 1], [], []>, transpose_lhs_hint = false} : vector<256x15xf32>, vector<256x120xf32>, vector<15x120xf32> -> vector<15x120xf32>
    %mul3A_173 = arith.mulf %dot_general3A_172, %get3A_156 : vector<15x120xf32>
    %dot_general3A_174 = arith.constant dense<0.000000e+00> : vector<15x8xf32>
    %dot_general3A_175 = tpu.matmul %mul3A_173, %get3A_159, %dot_general3A_174 {dimension_numbers = #tpu.dot_dimension_numbers<[1], [0], [0], [1], [0, 0, 1, 1], [], []>, transpose_lhs_hint = false} : vector<15x120xf32>, vector<120x8xf32>, vector<15x8xf32> -> vector<15x8xf32>
    %reduce_sum3A_176 = arith.constant dense<0.000000e+00> : vector<8xf32>
    %reduce_sum3A_177 = vector.multi_reduction <add>, %dot_general3A_175, %reduce_sum3A_176 [0] : vector<15x8xf32> to vector<8xf32>
    %slice3A_178 = vector.extract_strided_slice %reshape3A_150 {offsets = [2, 0, 0], sizes = [1, 256, 15], strides = [1, 1, 1]} : vector<8x256x15xf32> to vector<1x256x15xf32>
    %squeeze3A_179 = vector.shape_cast %slice3A_178 : vector<1x256x15xf32> to vector<256x15xf32>
    %dot_general3A_180 = arith.constant dense<0.000000e+00> : vector<15x120xf32>
    %dot_general3A_181 = tpu.matmul %squeeze3A_179, %get3A_153, %dot_general3A_180 {dimension_numbers = #tpu.dot_dimension_numbers<[0], [0], [1], [1], [0, 1, 1, 1], [], []>, transpose_lhs_hint = false} : vector<256x15xf32>, vector<256x120xf32>, vector<15x120xf32> -> vector<15x120xf32>
    %mul3A_182 = arith.mulf %dot_general3A_181, %get3A_156 : vector<15x120xf32>
    %dot_general3A_183 = arith.constant dense<0.000000e+00> : vector<15x8xf32>
    %dot_general3A_184 = tpu.matmul %mul3A_182, %get3A_159, %dot_general3A_183 {dimension_numbers = #tpu.dot_dimension_numbers<[1], [0], [0], [1], [0, 0, 1, 1], [], []>, transpose_lhs_hint = false} : vector<15x120xf32>, vector<120x8xf32>, vector<15x8xf32> -> vector<15x8xf32>
    %reduce_sum3A_185 = arith.constant dense<0.000000e+00> : vector<8xf32>
    %reduce_sum3A_186 = vector.multi_reduction <add>, %dot_general3A_184, %reduce_sum3A_185 [0] : vector<15x8xf32> to vector<8xf32>
    %slice3A_187 = vector.extract_strided_slice %reshape3A_150 {offsets = [3, 0, 0], sizes = [1, 256, 15], strides = [1, 1, 1]} : vector<8x256x15xf32> to vector<1x256x15xf32>
    %squeeze3A_188 = vector.shape_cast %slice3A_187 : vector<1x256x15xf32> to vector<256x15xf32>
    %dot_general3A_189 = arith.constant dense<0.000000e+00> : vector<15x120xf32>
    %dot_general3A_190 = tpu.matmul %squeeze3A_188, %get3A_153, %dot_general3A_189 {dimension_numbers = #tpu.dot_dimension_numbers<[0], [0], [1], [1], [0, 1, 1, 1], [], []>, transpose_lhs_hint = false} : vector<256x15xf32>, vector<256x120xf32>, vector<15x120xf32> -> vector<15x120xf32>
    %mul3A_191 = arith.mulf %dot_general3A_190, %get3A_156 : vector<15x120xf32>
    %dot_general3A_192 = arith.constant dense<0.000000e+00> : vector<15x8xf32>
    %dot_general3A_193 = tpu.matmul %mul3A_191, %get3A_159, %dot_general3A_192 {dimension_numbers = #tpu.dot_dimension_numbers<[1], [0], [0], [1], [0, 0, 1, 1], [], []>, transpose_lhs_hint = false} : vector<15x120xf32>, vector<120x8xf32>, vector<15x8xf32> -> vector<15x8xf32>
    %reduce_sum3A_194 = arith.constant dense<0.000000e+00> : vector<8xf32>
    %reduce_sum3A_195 = vector.multi_reduction <add>, %dot_general3A_193, %reduce_sum3A_194 [0] : vector<15x8xf32> to vector<8xf32>
    %slice3A_196 = vector.extract_strided_slice %reshape3A_150 {offsets = [4, 0, 0], sizes = [1, 256, 15], strides = [1, 1, 1]} : vector<8x256x15xf32> to vector<1x256x15xf32>
    %squeeze3A_197 = vector.shape_cast %slice3A_196 : vector<1x256x15xf32> to vector<256x15xf32>
    %dot_general3A_198 = arith.constant dense<0.000000e+00> : vector<15x120xf32>
    %dot_general3A_199 = tpu.matmul %squeeze3A_197, %get3A_153, %dot_general3A_198 {dimension_numbers = #tpu.dot_dimension_numbers<[0], [0], [1], [1], [0, 1, 1, 1], [], []>, transpose_lhs_hint = false} : vector<256x15xf32>, vector<256x120xf32>, vector<15x120xf32> -> vector<15x120xf32>
    %mul3A_200 = arith.mulf %dot_general3A_199, %get3A_156 : vector<15x120xf32>
    %dot_general3A_201 = arith.constant dense<0.000000e+00> : vector<15x8xf32>
    %dot_general3A_202 = tpu.matmul %mul3A_200, %get3A_159, %dot_general3A_201 {dimension_numbers = #tpu.dot_dimension_numbers<[1], [0], [0], [1], [0, 0, 1, 1], [], []>, transpose_lhs_hint = false} : vector<15x120xf32>, vector<120x8xf32>, vector<15x8xf32> -> vector<15x8xf32>
    %reduce_sum3A_203 = arith.constant dense<0.000000e+00> : vector<8xf32>
    %reduce_sum3A_204 = vector.multi_reduction <add>, %dot_general3A_202, %reduce_sum3A_203 [0] : vector<15x8xf32> to vector<8xf32>
    %slice3A_205 = vector.extract_strided_slice %reshape3A_150 {offsets = [5, 0, 0], sizes = [1, 256, 15], strides = [1, 1, 1]} : vector<8x256x15xf32> to vector<1x256x15xf32>
    %squeeze3A_206 = vector.shape_cast %slice3A_205 : vector<1x256x15xf32> to vector<256x15xf32>
    %dot_general3A_207 = arith.constant dense<0.000000e+00> : vector<15x120xf32>
    %dot_general3A_208 = tpu.matmul %squeeze3A_206, %get3A_153, %dot_general3A_207 {dimension_numbers = #tpu.dot_dimension_numbers<[0], [0], [1], [1], [0, 1, 1, 1], [], []>, transpose_lhs_hint = false} : vector<256x15xf32>, vector<256x120xf32>, vector<15x120xf32> -> vector<15x120xf32>
    %mul3A_209 = arith.mulf %dot_general3A_208, %get3A_156 : vector<15x120xf32>
    %dot_general3A_210 = arith.constant dense<0.000000e+00> : vector<15x8xf32>
    %dot_general3A_211 = tpu.matmul %mul3A_209, %get3A_159, %dot_general3A_210 {dimension_numbers = #tpu.dot_dimension_numbers<[1], [0], [0], [1], [0, 0, 1, 1], [], []>, transpose_lhs_hint = false} : vector<15x120xf32>, vector<120x8xf32>, vector<15x8xf32> -> vector<15x8xf32>
    %reduce_sum3A_212 = arith.constant dense<0.000000e+00> : vector<8xf32>
    %reduce_sum3A_213 = vector.multi_reduction <add>, %dot_general3A_211, %reduce_sum3A_212 [0] : vector<15x8xf32> to vector<8xf32>
    %slice3A_214 = vector.extract_strided_slice %reshape3A_150 {offsets = [6, 0, 0], sizes = [1, 256, 15], strides = [1, 1, 1]} : vector<8x256x15xf32> to vector<1x256x15xf32>
    %squeeze3A_215 = vector.shape_cast %slice3A_214 : vector<1x256x15xf32> to vector<256x15xf32>
    %dot_general3A_216 = arith.constant dense<0.000000e+00> : vector<15x120xf32>
    %dot_general3A_217 = tpu.matmul %squeeze3A_215, %get3A_153, %dot_general3A_216 {dimension_numbers = #tpu.dot_dimension_numbers<[0], [0], [1], [1], [0, 1, 1, 1], [], []>, transpose_lhs_hint = false} : vector<256x15xf32>, vector<256x120xf32>, vector<15x120xf32> -> vector<15x120xf32>
    %mul3A_218 = arith.mulf %dot_general3A_217, %get3A_156 : vector<15x120xf32>
    %dot_general3A_219 = arith.constant dense<0.000000e+00> : vector<15x8xf32>
    %dot_general3A_220 = tpu.matmul %mul3A_218, %get3A_159, %dot_general3A_219 {dimension_numbers = #tpu.dot_dimension_numbers<[1], [0], [0], [1], [0, 0, 1, 1], [], []>, transpose_lhs_hint = false} : vector<15x120xf32>, vector<120x8xf32>, vector<15x8xf32> -> vector<15x8xf32>
    %reduce_sum3A_221 = arith.constant dense<0.000000e+00> : vector<8xf32>
    %reduce_sum3A_222 = vector.multi_reduction <add>, %dot_general3A_220, %reduce_sum3A_221 [0] : vector<15x8xf32> to vector<8xf32>
    %slice3A_223 = vector.extract_strided_slice %reshape3A_150 {offsets = [7, 0, 0], sizes = [1, 256, 15], strides = [1, 1, 1]} : vector<8x256x15xf32> to vector<1x256x15xf32>
    %squeeze3A_224 = vector.shape_cast %slice3A_223 : vector<1x256x15xf32> to vector<256x15xf32>
    %dot_general3A_225 = arith.constant dense<0.000000e+00> : vector<15x120xf32>
    %dot_general3A_226 = tpu.matmul %squeeze3A_224, %get3A_153, %dot_general3A_225 {dimension_numbers = #tpu.dot_dimension_numbers<[0], [0], [1], [1], [0, 1, 1, 1], [], []>, transpose_lhs_hint = false} : vector<256x15xf32>, vector<256x120xf32>, vector<15x120xf32> -> vector<15x120xf32>
    %mul3A_227 = arith.mulf %dot_general3A_226, %get3A_156 : vector<15x120xf32>
    %dot_general3A_228 = arith.constant dense<0.000000e+00> : vector<15x8xf32>
    %dot_general3A_229 = tpu.matmul %mul3A_227, %get3A_159, %dot_general3A_228 {dimension_numbers = #tpu.dot_dimension_numbers<[1], [0], [0], [1], [0, 0, 1, 1], [], []>, transpose_lhs_hint = false} : vector<15x120xf32>, vector<120x8xf32>, vector<15x8xf32> -> vector<15x8xf32>
    %reduce_sum3A_230 = arith.constant dense<0.000000e+00> : vector<8xf32>
    %reduce_sum3A_231 = vector.multi_reduction <add>, %dot_general3A_229, %reduce_sum3A_230 [0] : vector<15x8xf32> to vector<8xf32>
    %stack3A_232 = vector.shape_cast %reduce_sum3A_168 : vector<8xf32> to vector<1x8xf32>
    %stack3A_233 = vector.shape_cast %reduce_sum3A_177 : vector<8xf32> to vector<1x8xf32>
    %stack3A_234 = vector.shape_cast %reduce_sum3A_186 : vector<8xf32> to vector<1x8xf32>
    %stack3A_235 = vector.shape_cast %reduce_sum3A_195 : vector<8xf32> to vector<1x8xf32>
    %stack3A_236 = vector.shape_cast %reduce_sum3A_204 : vector<8xf32> to vector<1x8xf32>
    %stack3A_237 = vector.shape_cast %reduce_sum3A_213 : vector<8xf32> to vector<1x8xf32>
    %stack3A_238 = vector.shape_cast %reduce_sum3A_222 : vector<8xf32> to vector<1x8xf32>
    %stack3A_239 = vector.shape_cast %reduce_sum3A_231 : vector<8xf32> to vector<1x8xf32>
    %stack3A_240 = tpu.concatenate %stack3A_232, %stack3A_233, %stack3A_234, %stack3A_235, %stack3A_236, %stack3A_237, %stack3A_238, %stack3A_239 in 0 : vector<1x8xf32>, vector<1x8xf32>, vector<1x8xf32>, vector<1x8xf32>, vector<1x8xf32>, vector<1x8xf32>, vector<1x8xf32>, vector<1x8xf32> -> vector<8x8xf32>
    %get3A_241 = arith.constant 0 : index
    %get3A_242 = arith.constant 0 : index
    %get3A_243 = vector.load %arg8[%get3A_241, %get3A_242] : memref<1x8xf32, #tpu.memory_space<vmem>>, vector<1x8xf32>
    %get3A_244 = vector.shape_cast %get3A_243 : vector<1x8xf32> to vector<8xf32>
    %broadcast_in_dim3A_245 = vector.shape_cast %get3A_244 : vector<8xf32> to vector<1x8xf32>
    %add3A_246 = vector.broadcast %broadcast_in_dim3A_245 : vector<1x8xf32> to vector<8x8xf32>
    %add3A_247 = arith.addf %stack3A_240, %add3A_246 : vector<8x8xf32>
    %swap3A_248 = arith.constant 0 : index
    %swap3A_249 = arith.constant 0 : index
    %swap3A_250 = vector.load %arg9[%swap3A_248, %swap3A_249] : memref<8x8xf32, #tpu.memory_space<vmem>>, vector<8x8xf32>
    tpu.vector_store %arg9[%swap3A_248, %swap3A_249], %add3A_247 {strides = array<i32>} : memref<8x8xf32, #tpu.memory_space<vmem>>, vector<8x8xf32>,
    return
  }
  func.func @transform_0(%arg0: i32) -> (i32, i32) {
    %c0_i32 = arith.constant 0 : i32
    %c0_i32_0 = arith.constant 0 : i32
    return %arg0, %c0_i32 : i32, i32
  }
  func.func @transform_1(%arg0: i32) -> (i32, i32) {
    %c0_i32 = arith.constant 0 : i32
    %c0_i32_0 = arith.constant 0 : i32
    return %arg0, %c0_i32 : i32, i32
  }
  func.func @transform_2(%arg0: i32) -> (i32, i32) {
    %c0_i32 = arith.constant 0 : i32
    %c0_i32_0 = arith.constant 0 : i32
    %c0_i32_1 = arith.constant 0 : i32
    return %c0_i32, %c0_i32_0 : i32, i32
  }
  func.func @transform_3(%arg0: i32) -> (i32, i32) {
    %c0_i32 = arith.constant 0 : i32
    %c0_i32_0 = arith.constant 0 : i32
    %c0_i32_1 = arith.constant 0 : i32
    return %c0_i32, %c0_i32_0 : i32, i32
  }
  func.func @transform_4(%arg0: i32) -> (i32, i32) {
    %c0_i32 = arith.constant 0 : i32
    %c0_i32_0 = arith.constant 0 : i32
    %c0_i32_1 = arith.constant 0 : i32
    return %c0_i32, %c0_i32_0 : i32, i32
  }
  func.func @transform_5(%arg0: i32) -> (i32, i32) {
    %c0_i32 = arith.constant 0 : i32
    %c0_i32_0 = arith.constant 0 : i32
    %c0_i32_1 = arith.constant 0 : i32
    return %c0_i32, %c0_i32_0 : i32, i32
  }
  func.func @transform_6(%arg0: i32) -> (i32, i32) {
    %c0_i32 = arith.constant 0 : i32
    %c0_i32_0 = arith.constant 0 : i32
    %c0_i32_1 = arith.constant 0 : i32
    return %c0_i32, %c0_i32_0 : i32, i32
  }
  func.func @transform_7(%arg0: i32) -> (i32, i32) {
    %c0_i32 = arith.constant 0 : i32
    %c0_i32_0 = arith.constant 0 : i32
    %c0_i32_1 = arith.constant 0 : i32
    return %c0_i32, %c0_i32_0 : i32, i32
  }
  func.func @transform_8(%arg0: i32) -> (i32, i32) {
    %c0_i32 = arith.constant 0 : i32
    %c0_i32_0 = arith.constant 0 : i32
    return %arg0, %c0_i32 : i32, i32
  }
}

</mosaic_0001>

<sc_bundles>
// kernel: kernel.5.cloned.1.call-start
scs
__scs_entry_jumppad:
0x0: {  	(pc) =	sbr.rel $0x88, $3  }
0x1: {  	(tag) =	ssettag $0x0;
	lr =	simm.s32 $0x1  }
0x2: {  	[smem:$0x3F93] =	sst lr;
	_ =	strace $0xD0000000  }
0x3: {  	_ = 	snop  }
0x4: {  	_ = 	snop  }
0x5: {  	_ = 	snop  }
0x6: {  	_ = 	snop  }
0x7: {  	_ = 	snop  }
__scs_overlays_trampoline_lowered:
0x8: {  	[smem:$0x3FA2] =	sst s0  }
0x9: {  	[smem:$0x3FA3] =	sst s1  }
0xa: {  	[smem:$0x3FA4] =	sst s2  }
0xb: {  	[smem:$0x3FA5] =	sst s3  }
0xc: {  	[smem:$0x3FA6] =	sst s4  }
0xd: {  	[smem:$0x3FA7] =	sst s5  }
0xe: {  	[smem:$0x3FA8] =	sst s6  }
0xf: {  	[smem:$0x3FA9] =	sst s7  }
0x10: {  	[smem:$0x3FAA] =	sst s8  }
0x11: {  	[smem:$0x3FAB] =	sst s9;
	s0 =	simm.s32 @!p0 $0x0  }
0x12: {  	s1 =	sld [smem:$0x3F91];
	s0 =	simm.s32 @p0 $0x1  }
0x13: {  	[smem:$0x3FAC] =	sst s0;
	s0 =	simm.s32 @!p1 $0x0  }
0x14: {  	s2 =	sld [smem:$0x3F90];
	s0 =	simm.s32 @p1 $0x1  }
0x15: {  	[smem:$0x3FAD] =	sst s0;
	s0 =	simm.s32 @!p2 $0x0  }
0x16: {  	s3 =	sld [smem:$0x3FDB];
	s0 =	simm.s32 @p2 $0x1  }
0x17: {  	s4 =	simm.s32 $0x1BF5;
	[smem:$0x3FAF] =	sst s0  }
0x18: {  	s0 =	sld [smem:$0x3F92];
	_ =	swait.ge [sflag:s4], $0x0  }
0x19: {  	s7 =	sld [smem:$0x3F93]  }
0x1a: {  	s8 =	sadd.s32 $0xFFFFE003, lr  }
0x1b: {  	s9 =	sadd.s32 $0xFFFFFEF7, lr;
	s5 =	simm.s32 $0xFFFFFFFF;
	p2 =	slt.u32 s8, $0xFFFFF086  }
0x1c: {  	p1 =	slt.u32 s9, $0xF7A;
	s5 =	simm.s32 @!p2 $0x0  }
0x1d: {  	s5 =	simm.s32 @p1 $0x1;
	p0 =	seq.s32 s7, s2  }
0x1e: {  	s7 =	smul.u32 @!p0 $0xF7A, s2;
	p2 =	seq.s32 @!p0 s5, $0x0  }
0x1f: {  	s9 =	smul.u32 $0xF7A, s1;
	s8 =	simm.s32 @!p0 $0x1BF5;
	p2 =	por !p2, p0  }
0x20: {  	[sflag:s8] =	ssyncset.s32 @!p0 $0xFFFFF086;
	s6 =	sadd.s32 @!p0 s3, s7;
	s7 =	simm.s32 @!p0 $0x108  }
0x21: {  	s3 =	sadd.s32 s3, s9;
	s6 =	sadd.s32 @!p0 $0x88, s6;
	s7 =	simm.s32 @p2 $0x1082  }
0x22: {  	[simem:s7], [sflag:s8] =	dma.local @!p0 [hbm:s6], $0xF7A  }
0x23: {  	s9 =	sor.u32 $0xD0000000, s2;
	s6 =	simm.s32 $0x108;
	_ =	swait.ge @!p0 [sflag:s8], $0x0  }
0x24: {  	s3 =	sadd.s32 $0x88, s3;
	s6 =	simm.s32 @!p1 $0x1082;
	[sflag:s4] =	ssyncset.s32 $0xFFFFF086  }
0x25: {  	[simem:s6], [sflag:s4] =	dma.local [hbm:s3], $0xF7A  }
0x26: {  	[smem:$0x3F93] =	sst s1;
	(tag) =	ssettag s2;
	_ =	strace s9  }
0x27: {  	s1 =	sld [smem:$0x3FA3]  }
0x28: {  	s2 =	sld [smem:$0x3FA4]  }
0x29: {  	s4 =	sld [smem:$0x3FA6]  }
0x2a: {  	p0 =	seq.s32 s5, $0x0;
	s5 =	sld [smem:$0x3FA7]  }
0x2b: {  	s6 =	sld [smem:$0x3FA8]  }
0x2c: {  	s7 =	sld [smem:$0x3FA9]  }
0x2d: {  	s3 =	simm.s32 $0x108;
	s8 =	sld [smem:$0x3FAA]  }
0x2e: {  	s3 =	simm.s32 @!p0 $0x1082;
	s9 =	sld [smem:$0x3FAB]  }
0x2f: {  	lr =	sadd.s32 s0, s3;
	s0 =	sld [smem:$0x3FA2]  }
0x30: {  	s3 =	sld [smem:$0x3FA5]  }
0x31: {  	[smem:$0x3FAE] =	sst s10  }
0x32: {  	s10 =	sld [smem:$0x3FAC];
	_ =	sdelay $0x3  }
0x33: {  	p0 =	seq.s32 s10, $0x1;
	s10 =	sld [smem:$0x3FAE];
	_ =	sdelay $0x3  }
0x34: {  	[smem:$0x3FAE] =	sst s10  }
0x35: {  	s10 =	sld [smem:$0x3FAD];
	_ =	sdelay $0x3  }
0x36: {  	p1 =	seq.s32 s10, $0x1;
	s10 =	sld [smem:$0x3FAE];
	_ =	sdelay $0x3  }
0x37: {  	[smem:$0x3FAE] =	sst s10  }
0x38: {  	s10 =	sld [smem:$0x3FAF]  }
0x39: {  	_ = 	snop;
	(pc) =	sbr.ind lr, $3  }
0x3a: {  	_ = 	snop  }
0x3b: {  	_ = 	snop  }
0x3c: {  	p2 =	seq.s32 s10, $0x1;
	s10 =	sld [smem:$0x3FAE]  }
0x3d: {  	_ =	shalt  }
0x3e: {  	_ =	shalt  }
0x3f: {  	_ =	shalt  }
0x40: {  	_ =	shalt  }
0x41: {  	_ =	shalt  }
0x42: {  	_ =	shalt  }
0x43: {  	_ =	shalt  }
0x44: {  	_ =	shalt  }
0x45: {  	_ =	shalt  }
0x46: {  	_ =	shalt  }
0x47: {  	_ =	shalt  }
0x48: {  	_ =	shalt  }
0x49: {  	_ =	shalt  }
0x4a: {  	_ =	shalt  }
0x4b: {  	_ =	shalt  }
0x4c: {  	_ =	shalt  }
0x4d: {  	_ =	shalt  }
0x4e: {  	_ =	shalt  }
0x4f: {  	_ =	shalt  }
0x50: {  	_ =	shalt  }
0x51: {  	_ =	shalt  }
0x52: {  	_ =	shalt  }
0x53: {  	_ =	shalt  }
0x54: {  	_ =	shalt  }
0x55: {  	_ =	shalt  }
0x56: {  	_ =	shalt  }
0x57: {  	_ =	shalt  }
0x58: {  	_ =	shalt  }
0x59: {  	_ =	shalt  }
0x5a: {  	_ =	shalt  }
0x5b: {  	_ =	shalt  }
0x5c: {  	_ =	shalt  }
0x5d: {  	_ =	shalt  }
0x5e: {  	_ =	shalt  }
0x5f: {  	_ =	shalt  }
0x60: {  	_ =	shalt  }
0x61: {  	_ =	shalt  }
0x62: {  	_ =	shalt  }
0x63: {  	_ =	shalt  }
0x64: {  	_ =	shalt  }
0x65: {  	_ =	shalt  }
0x66: {  	_ =	shalt  }
0x67: {  	_ =	shalt  }
0x68: {  	_ =	shalt  }
0x69: {  	_ =	shalt  }
0x6a: {  	_ =	shalt  }
0x6b: {  	_ =	shalt  }
0x6c: {  	_ =	shalt  }
0x6d: {  	_ =	shalt  }
0x6e: {  	_ =	shalt  }
0x6f: {  	_ =	shalt  }
0x70: {  	_ =	shalt  }
0x71: {  	_ =	shalt  }
0x72: {  	_ =	shalt  }
0x73: {  	_ =	shalt  }
0x74: {  	_ =	shalt  }
0x75: {  	_ =	shalt  }
0x76: {  	_ =	shalt  }
0x77: {  	_ =	shalt  }
0x78: {  	_ =	shalt  }
0x79: {  	_ =	shalt  }
0x7a: {  	_ =	shalt  }
0x7b: {  	_ =	shalt  }
0x7c: {  	_ =	shalt  }
0x7d: {  	_ =	shalt  }
0x7e: {  	_ =	shalt  }
0x7f: {  	_ =	shalt  }
0x80: {  	_ =	shalt  }
0x81: {  	_ =	shalt  }
0x82: {  	_ =	shalt  }
0x83: {  	_ =	shalt  }
0x84: {  	_ =	shalt  }
0x85: {  	_ =	shalt  }
0x86: {  	_ =	shalt  }
0x87: {  	_ =	shalt  }
.Lfunc_end0:
.L_simem_size_0:
called_computation_lowered:
.L_overlay_start_0:
0x88: {  	s2 =	sld [smem:$0x3FD9]  }
0x89: {  	s3 =	sld [smem:$0x3FFE];
	_ =	sdelay $0x1  }
0x8a: {  	s1 =	srdreg.scid  }
0x8b: {  	s0 =	sand.u32 $0x1, s1  }
0x8c: {  	s17 =	sshll.u32 s0, $0xA;
	s2 =	sadd.s32 s3, s2  }
0x8d: {  	s2 =	sadd.s32 s2, s17  }
0x8e: {  	[smem:$0x3FBA] =	sst s2  }
0x8f: {  	_ = 	snop  }
0x90: {  	s2 =	sld [smem:$0x3FD0];
	(tm) =	ssettm $0x1  }
0x91: {  	s18 =	sld [smem:$0x3FFB];
	_ =	sdelay $0x3  }
0x92: {  	_ =	strace s18  }
0x93: {  	s3 =	sld [smem:$0x3FFC];
	_ =	sdelay $0x3  }
0x94: {  	_ =	strace s3  }
0x95: {  	s3 =	sld [smem:$0x3FFD];
	_ =	sdelay $0x3  }
0x96: {  	_ =	strace s3  }
0x97: {  	_ =	strace $0x8FFFFFFF  }
0x98: {  	s19 =	sld [smem:$0x3FDB];
	_ =	sdelay $0x1  }
0x99: {  	s4 =	simm.s32 $_scs_section_size  }
0x9a: {  	s5 =	simm.s32 $_size__tile_overlayer_lowered;
	s6 =	simm.s32 $_tile_overlayer_lowered  }
0x9b: {  	s22 =	simm.s32 $0x1BFF;
	s21 =	sshll.u32 s6, $0x1;
	s3 =	sadd.s32 s4, s19  }
0x9c: {  	s7 =	simm.s32 $0x0;
	s20 =	sshll.u32 s5, $0x1;
	s5 =	sadd.s32 s21, s3  }
0x9d: {  	[timem:s7], [sflag:s22] =	dma.local [hbm:s5], s20  }
0x9e: {  	_ =	swait.ge [sflag:s22], s20  }
0x9f: {  	s4 =	ssub.s32 $0x0, s20;
	[sflag:s22] =	ssyncset.done $0x0  }
0xa0: {  	[sflag:s22] =	ssyncadd.s32 s4;
	_ =	sdelay $0x1  }
0xa1: {  	s23 =	simm.s32 $0x1B8B  }
0xa2: {  	_ =	swait.ge [sflag:s23], $0x1  }
0xa3: {  	[sflag:s23] =	ssyncset.done $0x0  }
0xa4: {  	s25 =	simm.s32 $0x1B8E;
	s24 =	sld [smem:$0x3FFE];
	[sflag:s23] =	ssyncadd.s32 $0xFFFFFFFF  }
0xa5: {  	s26 =	simm.s32 $execute0_lowered;
	[smem:$0x3FD2] =	sst s25  }
0xa6: {  	s5 =	sshll.u32 s26, $0x1;
	_ =	strace $0x80000046;
	[dreg:$0x1] =	wrdreg $0xFFFFFFFF  }
0xa7: {  	s28 =	simm.s32 $_size_execute0_lowered;
	s3 =	sadd.s32 s3, s5;
	[dreg:$0x0] =	wrdreg $0x0  }
0xa8: {  	s5 =	sshll.u32 s28, $0x1;
	[dreg:$0x2] =	wrdreg s3  }
0xa9: {  	[dreg:$0x3] =	wrdreg s5  }
0xaa: {  	[dreg:$0x4] =	wrdreg $0xC0  }
0xab: {  	_ =	task [dreg:s7], $0x5FFFF  }
0xac: {  	[dreg:$0x1] =	wrdreg $0xFFFFFFFF  }
0xad: {  	[dreg:$0x0] =	wrdreg $0x60  }
0xae: {  	[dreg:$0x2] =	wrdreg s24  }
0xaf: {  	[dreg:$0x3] =	wrdreg s2  }
0xb0: {  	[dreg:$0x4] =	wrdreg $0x9  }
0xb1: {  	_ =	task.clear_ibuf [dreg:s7], $0x5FFFF;
	_ =	strace $0x90000046  }
0xb2: {  	s29 =	simm.s32 $0x9;
	_ =	strace $0x80000048  }
0xb3: {  	_ =	swait.ge [sflag:s29], $0x1  }
0xb4: {  	[sflag:s29] =	ssyncadd.s32 $0xFFFFFFFF  }
0xb5: {  	_ =	strace $0x90000048  }
0xb6: {  	_ =	sfence  }
0xb7: {  	s30 =	sld [smem:$0x0];
	_ =	sdelay $0x2  }
0xb8: {  	s31 =	sshll.u32 s1, $0xD;
	s1 =	sshrl.u32 s1, $0x2  }
0xb9: {  	s3 =	sand.u32 $0x4000, s31;
	s1 =	sadd.s32 s1, s30  }
0xba: {  	s0 =	sor.u32 s3, s0;
	s1 =	sshll.u32 s1, $0x11  }
0xbb: {  	s0 =	sor.u32 s1, s0  }
0xbc: {  	s0 =	sadd.s32 $0x8F2B, s0  }
0xbd: {  	[sflag:s0] =	ssyncadd.remote.s32 $0x1  }
0xbe: {  	_ =	sfence.sel $0xFFFF  }
0xbf: {  	[dreg:$0x0] =	wrdreg $0xFFFFFFFF;
	(pc) =	sbr.abs _section_cstart, $3  }
0xc0: {  	[dreg:$0x1] =	wrdreg $0xFFFFFFFF  }
0xc1: {  	_ =	task.clear_ibuf [dreg:s7], $0x2FFFF;
	_ =	strace $0x9FFFFFFF  }
0xc2: {  	(tm) =	ssettm $0x7FFFFFFF  }
0xc3: {  	_ =	shalt  }
tec
execute0_lowered:
.L_overlay_start_1:
0x0: {  	(tag) =	ssettag $0x1  }
0x1: {  	s1 =	rddreg [dreg:$0x0]  }
0x2: {  	s0 =	rddreg [dreg:$0x1]  }
0x3: {  	s2 =	srdreg.scid;
	s3 =	simm.s32 $0x0;
	s4 =	stileid.u32  }
0x4: {  	s14 =	simm.s32 $0x1;
	s16 =	simm.s32 $0x900;
	s17 =	simm.s32 $0x1100  }
0x5: {  	s18 =	simm.s32 $0x1900;
	s19 =	simm.s32 $0x2100;
	s20 =	simm.s32 $0x2900  }
0x6: {  	s21 =	simm.s32 $0x3100;
	s22 =	simm.s32 $0x3900;
	s23 =	simm.s32 $0x4100  }
0x7: {  	s24 =	simm.s32 $0x4900;
	s28 =	simm.s32 $0x6100;
	s29 =	simm.s32 $0x6900  }
0x8: {  	s30 =	simm.s32 $0x7100;
	s31 =	simm.s32 $0x7900;
	s8 =	simm.s32 $0x9100  }
0x9: {  	s9 =	simm.s32 $0x9900;
	s10 =	simm.s32 $0xA100;
	s11 =	simm.s32 $0xA900  }
0xa: {  	s12 =	simm.s32 $0xB100;
	s13 =	simm.s32 $0xB900;
	s2 =	sand.u32 $0x1, s2  }
0xb: {  	s7 =	simm.s32 $0xC100;
	s4 =	sshll.u32 s4, $0x9;
	s5 =	sshll.u32 s2, $0x8  }
0xc: {  	[smem:$0x7FF] =	sst s3;
	s2 =	ssub.s32 $0x2, s2;
	s4 =	sor.u32 s5, s4  }
0xd: {  	_ =	strace $0x80000047;
	s6 =	sshrl.u32 s2, $0x1;
	s5 =	sshll.u32 s4, $0x6  }
0xe: {  	s4 =	sshrl.u32 s4, $0x3;
	s2 =	ssub.s32 s2, s6;
	s6 =	simm.s32 $0x2  }
0xf: {  	s5 =	sadd.s32 s5, s1;
	s0 =	sadd.s32 s0, s4;
	s4 =	sadd.s32 $0x100, s1  }
0x10: {  	v2 =	vlaneseq.u32;
	[dreg:$0x3] =	wrdreg s0;
	s25 =	sadd.s32 $0x20000, s5;
	s26 =	sadd.s32 $0x22000, s5  }
0x11: {  	vm0 =	vmmov $0xffff;
	v1 =	vshrl.u32 v2, $0x3;
	s5 =	smax.u32 s2, $0x1;
	s2 =	simm.s32 $0x8900;
	[dreg:$0x4] =	wrdreg s25  }
0x12: {  	v0 =	vand.u32 $0x7, v2;
	v2 =	vor.u32 $0x8, v2;
	v1 =	vmul.u32 $0x8, v1;
	[dreg:$0x5] =	wrdreg s26;
	s25 =	simm.s32 $0x5100;
	s26 =	simm.s32 $0x5900  }
.LBB2_1:
0x13: {  	s15 =	rddreg [dreg:$0x3]  }
0x14: {  	[tilespmem:s3], [sflag:$0x2] =	stream.linear.gather [hbm4b:s15+s3], $0x100, $0x38;
	[tilespmem:$0x10100] =	vst v63  }
0x15: {  	_ =	swait.ge [sflag:s6], $0x100  }
0x16: {  	[sflag:s6] =	ssyncset.done $0x0  }
0x17: {  	[sflag:s6] =	ssyncadd.s32 $0xFFFFFF00  }
0x18: {  	v3 =	vld [tilespmem:$0x0];
	_ =	sdelay $0x4  }
0x19: {  	v4 =	vshll.u32 v3, $0x2  }
0x1a: {  	v3 =	vand.u32 $0x7, v3;
	v4 =	vand.u32 $0xFFFFFFE0, v4  }
0x1b: {  	v3 =	vor.u32 v3, v4  }
0x1c: {  	v4 =	vperm.xlane v3, v0;
	_ =	sdelay $0x1  }
0x1d: {  	v4 =	vadd.s32 v1, v4;
	_ =	sdelay $0x1  }
0x1e: {  	v3 =	vperm.xlane v3, v2;
	_ =	sdelay $0x1  }
0x1f: {  	s0 =	simm.s32 $0x100;
	v3 =	vadd.s32 v1, v3  }
0x20: {  	[tilespmem:s0], [sflag:$0x1] =	stream.indirect_vreg.gather [hbm4b:s1+s3], $0x80, v4, vm0, $0xb8;
	[tilespmem:$0x10100] =	vst v63  }
0x21: {  	_ = 	snop  }
0x22: {  	[tilespmem:s16], [sflag:$0x1] =	stream.indirect_vreg.gather [hbm4b:s4+s3], $0x80, v4, vm0, $0xb8;
	[tilespmem:$0x10100] =	vst v63  }
0x23: {  	_ = 	snop  }
0x24: {  	[tilespmem:s17], [sflag:$0x1] =	stream.indirect_vreg.gather [hbm4b:s1+s3], $0x80, v3, vm0, $0xb8;
	[tilespmem:$0x10100] =	vst v63  }
0x25: {  	_ = 	snop  }
0x26: {  	[tilespmem:s18], [sflag:$0x1] =	stream.indirect_vreg.gather [hbm4b:s4+s3], $0x80, v3, vm0, $0xb8;
	[tilespmem:$0x10100] =	vst v63  }
0x27: {  	v3 =	vld [tilespmem:$0x10];
	_ =	sdelay $0x4  }
0x28: {  	v49 =	vshll.u32 v3, $0x2  }
0x29: {  	v3 =	vand.u32 $0x7, v3;
	v4 =	vand.u32 $0xFFFFFFE0, v49  }
0x2a: {  	v3 =	vor.u32 v3, v4  }
0x2b: {  	v4 =	vperm.xlane v3, v0;
	_ =	sdelay $0x1  }
0x2c: {  	v4 =	vadd.s32 v1, v4;
	_ =	sdelay $0x1  }
0x2d: {  	v3 =	vperm.xlane v3, v2;
	_ =	sdelay $0x1  }
0x2e: {  	v3 =	vadd.s32 v1, v3  }
0x2f: {  	[tilespmem:s19], [sflag:$0x1] =	stream.indirect_vreg.gather [hbm4b:s1+s3], $0x80, v4, vm0, $0xb8;
	[tilespmem:$0x10100] =	vst v63  }
0x30: {  	_ = 	snop  }
0x31: {  	[tilespmem:s20], [sflag:$0x1] =	stream.indirect_vreg.gather [hbm4b:s4+s3], $0x80, v4, vm0, $0xb8;
	[tilespmem:$0x10100] =	vst v63  }
0x32: {  	_ = 	snop  }
0x33: {  	[tilespmem:s21], [sflag:$0x1] =	stream.indirect_vreg.gather [hbm4b:s1+s3], $0x80, v3, vm0, $0xb8;
	[tilespmem:$0x10100] =	vst v63  }
0x34: {  	_ = 	snop  }
0x35: {  	[tilespmem:s22], [sflag:$0x1] =	stream.indirect_vreg.gather [hbm4b:s4+s3], $0x80, v3, vm0, $0xb8;
	[tilespmem:$0x10100] =	vst v63  }
0x36: {  	v3 =	vld [tilespmem:$0x20];
	_ =	sdelay $0x4  }
0x37: {  	v50 =	vshll.u32 v3, $0x2  }
0x38: {  	v3 =	vand.u32 $0x7, v3;
	v4 =	vand.u32 $0xFFFFFFE0, v50  }
0x39: {  	v3 =	vor.u32 v3, v4  }
0x3a: {  	v4 =	vperm.xlane v3, v0;
	_ =	sdelay $0x1  }
0x3b: {  	v4 =	vadd.s32 v1, v4;
	_ =	sdelay $0x1  }
0x3c: {  	v3 =	vperm.xlane v3, v2;
	_ =	sdelay $0x1  }
0x3d: {  	v3 =	vadd.s32 v1, v3  }
0x3e: {  	[tilespmem:s23], [sflag:$0x1] =	stream.indirect_vreg.gather [hbm4b:s1+s3], $0x80, v4, vm0, $0xb8;
	[tilespmem:$0x10100] =	vst v63  }
0x3f: {  	_ = 	snop  }
0x40: {  	[tilespmem:s24], [sflag:$0x1] =	stream.indirect_vreg.gather [hbm4b:s4+s3], $0x80, v4, vm0, $0xb8;
	[tilespmem:$0x10100] =	vst v63  }
0x41: {  	_ = 	snop  }
0x42: {  	[tilespmem:s25], [sflag:$0x1] =	stream.indirect_vreg.gather [hbm4b:s1+s3], $0x80, v3, vm0, $0xb8;
	[tilespmem:$0x10100] =	vst v63  }
0x43: {  	_ = 	snop  }
0x44: {  	[tilespmem:s26], [sflag:$0x1] =	stream.indirect_vreg.gather [hbm4b:s4+s3], $0x80, v3, vm0, $0xb8;
	[tilespmem:$0x10100] =	vst v63  }
0x45: {  	v3 =	vld [tilespmem:$0x30];
	_ =	sdelay $0x4  }
0x46: {  	v51 =	vshll.u32 v3, $0x2  }
0x47: {  	v3 =	vand.u32 $0x7, v3;
	v4 =	vand.u32 $0xFFFFFFE0, v51  }
0x48: {  	v3 =	vor.u32 v3, v4  }
0x49: {  	v4 =	vperm.xlane v3, v0;
	_ =	sdelay $0x1  }
0x4a: {  	v4 =	vadd.s32 v1, v4;
	_ =	sdelay $0x1  }
0x4b: {  	v3 =	vperm.xlane v3, v2;
	_ =	sdelay $0x1  }
0x4c: {  	v3 =	vadd.s32 v1, v3  }
0x4d: {  	[tilespmem:s28], [sflag:$0x1] =	stream.indirect_vreg.gather [hbm4b:s1+s3], $0x80, v4, vm0, $0xb8;
	[tilespmem:$0x10100] =	vst v63  }
0x4e: {  	_ = 	snop  }
0x4f: {  	[tilespmem:s29], [sflag:$0x1] =	stream.indirect_vreg.gather [hbm4b:s4+s3], $0x80, v4, vm0, $0xb8;
	[tilespmem:$0x10100] =	vst v63  }
0x50: {  	_ = 	snop  }
0x51: {  	[tilespmem:s30], [sflag:$0x1] =	stream.indirect_vreg.gather [hbm4b:s1+s3], $0x80, v3, vm0, $0xb8;
	[tilespmem:$0x10100] =	vst v63  }
0x52: {  	_ = 	snop  }
0x53: {  	[tilespmem:s31], [sflag:$0x1] =	stream.indirect_vreg.gather [hbm4b:s4+s3], $0x80, v3, vm0, $0xb8;
	[tilespmem:$0x10100] =	vst v63  }
0x54: {  	v3 =	vld [tilespmem:$0x40];
	_ =	sdelay $0x4  }
0x55: {  	v52 =	vshll.u32 v3, $0x2  }
0x56: {  	v3 =	vand.u32 $0x7, v3;
	v4 =	vand.u32 $0xFFFFFFE0, v52  }
0x57: {  	v3 =	vor.u32 v3, v4  }
0x58: {  	v4 =	vperm.xlane v3, v0;
	_ =	sdelay $0x1  }
0x59: {  	v4 =	vadd.s32 v1, v4;
	_ =	sdelay $0x1  }
0x5a: {  	v3 =	vperm.xlane v3, v2;
	_ =	sdelay $0x1  }
0x5b: {  	s15 =	simm.s32 $0x8100;
	v3 =	vadd.s32 v1, v3  }
0x5c: {  	[tilespmem:s15], [sflag:$0x1] =	stream.indirect_vreg.gather [hbm4b:s1+s3], $0x80, v4, vm0, $0xb8;
	[tilespmem:$0x10100] =	vst v63  }
0x5d: {  	_ = 	snop  }
0x5e: {  	[tilespmem:s2], [sflag:$0x1] =	stream.indirect_vreg.gather [hbm4b:s4+s3], $0x80, v4, vm0, $0xb8;
	[tilespmem:$0x10100] =	vst v63  }
0x5f: {  	_ = 	snop  }
0x60: {  	[tilespmem:s8], [sflag:$0x1] =	stream.indirect_vreg.gather [hbm4b:s1+s3], $0x80, v3, vm0, $0xb8;
	[tilespmem:$0x10100] =	vst v63  }
0x61: {  	_ = 	snop  }
0x62: {  	[tilespmem:s9], [sflag:$0x1] =	stream.indirect_vreg.gather [hbm4b:s4+s3], $0x80, v3, vm0, $0xb8;
	[tilespmem:$0x10100] =	vst v63  }
0x63: {  	v3 =	vld [tilespmem:$0x50];
	_ =	sdelay $0x4  }
0x64: {  	v53 =	vshll.u32 v3, $0x2  }
0x65: {  	v3 =	vand.u32 $0x7, v3;
	v4 =	vand.u32 $0xFFFFFFE0, v53  }
0x66: {  	v3 =	vor.u32 v3, v4  }
0x67: {  	v4 =	vperm.xlane v3, v0;
	_ =	sdelay $0x1  }
0x68: {  	v4 =	vadd.s32 v1, v4;
	_ =	sdelay $0x1  }
0x69: {  	v3 =	vperm.xlane v3, v2;
	_ =	sdelay $0x1  }
0x6a: {  	v3 =	vadd.s32 v1, v3  }
0x6b: {  	[tilespmem:s10], [sflag:$0x1] =	stream.indirect_vreg.gather [hbm4b:s1+s3], $0x80, v4, vm0, $0xb8;
	[tilespmem:$0x10100] =	vst v63  }
0x6c: {  	_ = 	snop  }
0x6d: {  	[tilespmem:s11], [sflag:$0x1] =	stream.indirect_vreg.gather [hbm4b:s4+s3], $0x80, v4, vm0, $0xb8;
	[tilespmem:$0x10100] =	vst v63  }
0x6e: {  	_ = 	snop  }
0x6f: {  	[tilespmem:s12], [sflag:$0x1] =	stream.indirect_vreg.gather [hbm4b:s1+s3], $0x80, v3, vm0, $0xb8;
	[tilespmem:$0x10100] =	vst v63  }
0x70: {  	_ = 	snop  }
0x71: {  	[tilespmem:s13], [sflag:$0x1] =	stream.indirect_vreg.gather [hbm4b:s4+s3], $0x80, v3, vm0, $0xb8;
	[tilespmem:$0x10100] =	vst v63  }
0x72: {  	v3 =	vld [tilespmem:$0x60];
	_ =	sdelay $0x4  }
0x73: {  	v54 =	vshll.u32 v3, $0x2  }
0x74: {  	v3 =	vand.u32 $0x7, v3;
	v4 =	vand.u32 $0xFFFFFFE0, v54  }
0x75: {  	v3 =	vor.u32 v3, v4  }
0x76: {  	v4 =	vperm.xlane v3, v0;
	_ =	sdelay $0x1  }
0x77: {  	v4 =	vadd.s32 v1, v4;
	_ =	sdelay $0x1  }
0x78: {  	v3 =	vperm.xlane v3, v2;
	_ =	sdelay $0x1  }
0x79: {  	v3 =	vadd.s32 v1, v3  }
0x7a: {  	[tilespmem:s7], [sflag:$0x1] =	stream.indirect_vreg.gather [hbm4b:s1+s3], $0x80, v4, vm0, $0xb8;
	[tilespmem:$0x10100] =	vst v63  }
0x7b: {  	s15 =	simm.s32 $0xC900  }
0x7c: {  	[tilespmem:s15], [sflag:$0x1] =	stream.indirect_vreg.gather [hbm4b:s4+s3], $0x80, v4, vm0, $0xb8;
	[tilespmem:$0x10100] =	vst v63  }
0x7d: {  	s15 =	simm.s32 $0xD100  }
0x7e: {  	[tilespmem:s15], [sflag:$0x1] =	stream.indirect_vreg.gather [hbm4b:s1+s3], $0x80, v3, vm0, $0xb8;
	[tilespmem:$0x10100] =	vst v63  }
0x7f: {  	s15 =	simm.s32 $0xD900  }
0x80: {  	[tilespmem:s15], [sflag:$0x1] =	stream.indirect_vreg.gather [hbm4b:s4+s3], $0x80, v3, vm0, $0xb8;
	[tilespmem:$0x10100] =	vst v63  }
0x81: {  	v3 =	vld [tilespmem:$0x70];
	_ =	sdelay $0x4  }
0x82: {  	v55 =	vshll.u32 v3, $0x2  }
0x83: {  	v3 =	vand.u32 $0x7, v3;
	v4 =	vand.u32 $0xFFFFFFE0, v55  }
0x84: {  	v3 =	vor.u32 v3, v4  }
0x85: {  	v4 =	vperm.xlane v3, v0;
	_ =	sdelay $0x1  }
0x86: {  	v4 =	vadd.s32 v1, v4;
	_ =	sdelay $0x1  }
0x87: {  	v3 =	vperm.xlane v3, v2;
	_ =	sdelay $0x1  }
0x88: {  	s15 =	simm.s32 $0xE100;
	v3 =	vadd.s32 v1, v3  }
0x89: {  	[tilespmem:s15], [sflag:$0x1] =	stream.indirect_vreg.gather [hbm4b:s1+s3], $0x80, v4, vm0, $0xb8;
	[tilespmem:$0x10100] =	vst v63  }
0x8a: {  	s15 =	simm.s32 $0xE900  }
0x8b: {  	[tilespmem:s15], [sflag:$0x1] =	stream.indirect_vreg.gather [hbm4b:s4+s3], $0x80, v4, vm0, $0xb8;
	[tilespmem:$0x10100] =	vst v63  }
0x8c: {  	s15 =	simm.s32 $0xF100  }
0x8d: {  	[tilespmem:s15], [sflag:$0x1] =	stream.indirect_vreg.gather [hbm4b:s1+s3], $0x80, v3, vm0, $0xb8;
	[tilespmem:$0x10100] =	vst v63  }
0x8e: {  	s15 =	simm.s32 $0xF900  }
0x8f: {  	[tilespmem:s15], [sflag:$0x1] =	stream.indirect_vreg.gather [hbm4b:s4+s3], $0x80, v3, vm0, $0xb8;
	[tilespmem:$0x10100] =	vst v63  }
0x90: {  	_ =	swait.ge [sflag:s14], $0x10000  }
0x91: {  	[sflag:s14] =	ssyncset.done $0x0  }
0x92: {  	s0 =	simm.s32 $0x100;
	s15 =	rddreg [dreg:$0x4];
	[sflag:s14] =	ssyncadd.s32 $0xFFFF0000  }
0x93: {  	[hbm4b:s15+s3] =	stream.linear.scatter [tilespmem:s0], [sflag:$0x2], $0x10000, $0x38;
	[tilespmem:$0x10100] =	vst v63  }
0x94: {  	_ =	swait.ge [sflag:s6], $0x10000  }
0x95: {  	[sflag:s6] =	ssyncset.done $0x0  }
0x96: {  	[sflag:s6] =	ssyncadd.s32 $0xFFFF0000  }
0x97: {  	v3 =	vld [tilespmem:$0x80];
	_ =	sdelay $0x4  }
0x98: {  	v56 =	vshll.u32 v3, $0x2  }
0x99: {  	v3 =	vand.u32 $0x7, v3;
	v4 =	vand.u32 $0xFFFFFFE0, v56  }
0x9a: {  	v3 =	vor.u32 v3, v4  }
0x9b: {  	v4 =	vperm.xlane v3, v0;
	_ =	sdelay $0x1  }
0x9c: {  	v4 =	vadd.s32 v1, v4;
	_ =	sdelay $0x1  }
0x9d: {  	v3 =	vperm.xlane v3, v2;
	_ =	sdelay $0x1  }
0x9e: {  	v3 =	vadd.s32 v1, v3  }
0x9f: {  	[tilespmem:s0], [sflag:$0x1] =	stream.indirect_vreg.gather [hbm4b:s1+s3], $0x80, v4, vm0, $0xb8;
	[tilespmem:$0x10100] =	vst v63  }
0xa0: {  	_ = 	snop  }
0xa1: {  	[tilespmem:s16], [sflag:$0x1] =	stream.indirect_vreg.gather [hbm4b:s4+s3], $0x80, v4, vm0, $0xb8;
	[tilespmem:$0x10100] =	vst v63  }
0xa2: {  	_ = 	snop  }
0xa3: {  	[tilespmem:s17], [sflag:$0x1] =	stream.indirect_vreg.gather [hbm4b:s1+s3], $0x80, v3, vm0, $0xb8;
	[tilespmem:$0x10100] =	vst v63  }
0xa4: {  	_ = 	snop  }
0xa5: {  	[tilespmem:s18], [sflag:$0x1] =	stream.indirect_vreg.gather [hbm4b:s4+s3], $0x80, v3, vm0, $0xb8;
	[tilespmem:$0x10100] =	vst v63  }
0xa6: {  	v3 =	vld [tilespmem:$0x90];
	_ =	sdelay $0x4  }
0xa7: {  	v57 =	vshll.u32 v3, $0x2  }
0xa8: {  	v3 =	vand.u32 $0x7, v3;
	v4 =	vand.u32 $0xFFFFFFE0, v57  }
0xa9: {  	v3 =	vor.u32 v3, v4  }
0xaa: {  	v4 =	vperm.xlane v3, v0;
	_ =	sdelay $0x1  }
0xab: {  	v4 =	vadd.s32 v1, v4;
	_ =	sdelay $0x1  }
0xac: {  	v3 =	vperm.xlane v3, v2;
	_ =	sdelay $0x1  }
0xad: {  	v3 =	vadd.s32 v1, v3  }
0xae: {  	[tilespmem:s19], [sflag:$0x1] =	stream.indirect_vreg.gather [hbm4b:s1+s3], $0x80, v4, vm0, $0xb8;
	[tilespmem:$0x10100] =	vst v63  }
0xaf: {  	_ = 	snop  }
0xb0: {  	[tilespmem:s20], [sflag:$0x1] =	stream.indirect_vreg.gather [hbm4b:s4+s3], $0x80, v4, vm0, $0xb8;
	[tilespmem:$0x10100] =	vst v63  }
0xb1: {  	_ = 	snop  }
0xb2: {  	[tilespmem:s21], [sflag:$0x1] =	stream.indirect_vreg.gather [hbm4b:s1+s3], $0x80, v3, vm0, $0xb8;
	[tilespmem:$0x10100] =	vst v63  }
0xb3: {  	_ = 	snop  }
0xb4: {  	[tilespmem:s22], [sflag:$0x1] =	stream.indirect_vreg.gather [hbm4b:s4+s3], $0x80, v3, vm0, $0xb8;
	[tilespmem:$0x10100] =	vst v63  }
0xb5: {  	v3 =	vld [tilespmem:$0xA0];
	_ =	sdelay $0x4  }
0xb6: {  	v58 =	vshll.u32 v3, $0x2  }
0xb7: {  	v3 =	vand.u32 $0x7, v3;
	v4 =	vand.u32 $0xFFFFFFE0, v58  }
0xb8: {  	v3 =	vor.u32 v3, v4  }
0xb9: {  	v4 =	vperm.xlane v3, v0;
	_ =	sdelay $0x1  }
0xba: {  	v4 =	vadd.s32 v1, v4;
	_ =	sdelay $0x1  }
0xbb: {  	v3 =	vperm.xlane v3, v2;
	_ =	sdelay $0x1  }
0xbc: {  	v3 =	vadd.s32 v1, v3  }
0xbd: {  	[tilespmem:s23], [sflag:$0x1] =	stream.indirect_vreg.gather [hbm4b:s1+s3], $0x80, v4, vm0, $0xb8;
	[tilespmem:$0x10100] =	vst v63  }
0xbe: {  	_ = 	snop  }
0xbf: {  	[tilespmem:s24], [sflag:$0x1] =	stream.indirect_vreg.gather [hbm4b:s4+s3], $0x80, v4, vm0, $0xb8;
	[tilespmem:$0x10100] =	vst v63  }
0xc0: {  	_ = 	snop  }
0xc1: {  	[tilespmem:s25], [sflag:$0x1] =	stream.indirect_vreg.gather [hbm4b:s1+s3], $0x80, v3, vm0, $0xb8;
	[tilespmem:$0x10100] =	vst v63  }
0xc2: {  	_ = 	snop  }
0xc3: {  	[tilespmem:s26], [sflag:$0x1] =	stream.indirect_vreg.gather [hbm4b:s4+s3], $0x80, v3, vm0, $0xb8;
	[tilespmem:$0x10100] =	vst v63  }
0xc4: {  	v3 =	vld [tilespmem:$0xB0];
	_ =	sdelay $0x4  }
0xc5: {  	v59 =	vshll.u32 v3, $0x2  }
0xc6: {  	v3 =	vand.u32 $0x7, v3;
	v4 =	vand.u32 $0xFFFFFFE0, v59  }
0xc7: {  	v3 =	vor.u32 v3, v4  }
0xc8: {  	v4 =	vperm.xlane v3, v0;
	_ =	sdelay $0x1  }
0xc9: {  	v4 =	vadd.s32 v1, v4;
	_ =	sdelay $0x1  }
0xca: {  	v3 =	vperm.xlane v3, v2;
	_ =	sdelay $0x1  }
0xcb: {  	v3 =	vadd.s32 v1, v3  }
0xcc: {  	[tilespmem:s28], [sflag:$0x1] =	stream.indirect_vreg.gather [hbm4b:s1+s3], $0x80, v4, vm0, $0xb8;
	[tilespmem:$0x10100] =	vst v63  }
0xcd: {  	_ = 	snop  }
0xce: {  	[tilespmem:s29], [sflag:$0x1] =	stream.indirect_vreg.gather [hbm4b:s4+s3], $0x80, v4, vm0, $0xb8;
	[tilespmem:$0x10100] =	vst v63  }
0xcf: {  	_ = 	snop  }
0xd0: {  	[tilespmem:s30], [sflag:$0x1] =	stream.indirect_vreg.gather [hbm4b:s1+s3], $0x80, v3, vm0, $0xb8;
	[tilespmem:$0x10100] =	vst v63  }
0xd1: {  	_ = 	snop  }
0xd2: {  	[tilespmem:s31], [sflag:$0x1] =	stream.indirect_vreg.gather [hbm4b:s4+s3], $0x80, v3, vm0, $0xb8;
	[tilespmem:$0x10100] =	vst v63  }
0xd3: {  	v3 =	vld [tilespmem:$0xC0];
	_ =	sdelay $0x4  }
0xd4: {  	v60 =	vshll.u32 v3, $0x2  }
0xd5: {  	v3 =	vand.u32 $0x7, v3;
	v4 =	vand.u32 $0xFFFFFFE0, v60  }
0xd6: {  	v3 =	vor.u32 v3, v4  }
0xd7: {  	v4 =	vperm.xlane v3, v0;
	_ =	sdelay $0x1  }
0xd8: {  	v4 =	vadd.s32 v1, v4;
	_ =	sdelay $0x1  }
0xd9: {  	v3 =	vperm.xlane v3, v2;
	_ =	sdelay $0x1  }
0xda: {  	s15 =	simm.s32 $0x8100;
	v3 =	vadd.s32 v1, v3  }
0xdb: {  	[tilespmem:s15], [sflag:$0x1] =	stream.indirect_vreg.gather [hbm4b:s1+s3], $0x80, v4, vm0, $0xb8;
	[tilespmem:$0x10100] =	vst v63  }
0xdc: {  	_ = 	snop  }
0xdd: {  	[tilespmem:s2], [sflag:$0x1] =	stream.indirect_vreg.gather [hbm4b:s4+s3], $0x80, v4, vm0, $0xb8;
	[tilespmem:$0x10100] =	vst v63  }
0xde: {  	_ = 	snop  }
0xdf: {  	[tilespmem:s8], [sflag:$0x1] =	stream.indirect_vreg.gather [hbm4b:s1+s3], $0x80, v3, vm0, $0xb8;
	[tilespmem:$0x10100] =	vst v63  }
0xe0: {  	_ = 	snop  }
0xe1: {  	[tilespmem:s9], [sflag:$0x1] =	stream.indirect_vreg.gather [hbm4b:s4+s3], $0x80, v3, vm0, $0xb8;
	[tilespmem:$0x10100] =	vst v63  }
0xe2: {  	v3 =	vld [tilespmem:$0xD0];
	_ =	sdelay $0x4  }
0xe3: {  	v61 =	vshll.u32 v3, $0x2  }
0xe4: {  	v3 =	vand.u32 $0x7, v3;
	v4 =	vand.u32 $0xFFFFFFE0, v61  }
0xe5: {  	v3 =	vor.u32 v3, v4  }
0xe6: {  	v4 =	vperm.xlane v3, v0;
	_ =	sdelay $0x1  }
0xe7: {  	v4 =	vadd.s32 v1, v4;
	_ =	sdelay $0x1  }
0xe8: {  	v3 =	vperm.xlane v3, v2;
	_ =	sdelay $0x1  }
0xe9: {  	v3 =	vadd.s32 v1, v3  }
0xea: {  	[tilespmem:s10], [sflag:$0x1] =	stream.indirect_vreg.gather [hbm4b:s1+s3], $0x80, v4, vm0, $0xb8;
	[tilespmem:$0x10100] =	vst v63  }
0xeb: {  	_ = 	snop  }
0xec: {  	[tilespmem:s11], [sflag:$0x1] =	stream.indirect_vreg.gather [hbm4b:s4+s3], $0x80, v4, vm0, $0xb8;
	[tilespmem:$0x10100] =	vst v63  }
0xed: {  	_ = 	snop  }
0xee: {  	[tilespmem:s12], [sflag:$0x1] =	stream.indirect_vreg.gather [hbm4b:s1+s3], $0x80, v3, vm0, $0xb8;
	[tilespmem:$0x10100] =	vst v63  }
0xef: {  	_ = 	snop  }
0xf0: {  	[tilespmem:s13], [sflag:$0x1] =	stream.indirect_vreg.gather [hbm4b:s4+s3], $0x80, v3, vm0, $0xb8;
	[tilespmem:$0x10100] =	vst v63  }
0xf1: {  	v3 =	vld [tilespmem:$0xE0];
	_ =	sdelay $0x4  }
0xf2: {  	v62 =	vshll.u32 v3, $0x2  }
0xf3: {  	v3 =	vand.u32 $0x7, v3;
	v4 =	vand.u32 $0xFFFFFFE0, v62  }
0xf4: {  	v3 =	vor.u32 v3, v4  }
0xf5: {  	v4 =	vperm.xlane v3, v0;
	_ =	sdelay $0x1  }
0xf6: {  	v4 =	vadd.s32 v1, v4;
	_ =	sdelay $0x1  }
0xf7: {  	v3 =	vperm.xlane v3, v2;
	_ =	sdelay $0x1  }
0xf8: {  	v3 =	vadd.s32 v1, v3  }
0xf9: {  	[tilespmem:s7], [sflag:$0x1] =	stream.indirect_vreg.gather [hbm4b:s1+s3], $0x80, v4, vm0, $0xb8;
	[tilespmem:$0x10100] =	vst v63  }
0xfa: {  	s15 =	simm.s32 $0xC900  }
0xfb: {  	[tilespmem:s15], [sflag:$0x1] =	stream.indirect_vreg.gather [hbm4b:s4+s3], $0x80, v4, vm0, $0xb8;
	[tilespmem:$0x10100] =	vst v63  }
0xfc: {  	s15 =	simm.s32 $0xD100  }
0xfd: {  	[tilespmem:s15], [sflag:$0x1] =	stream.indirect_vreg.gather [hbm4b:s1+s3], $0x80, v3, vm0, $0xb8;
	[tilespmem:$0x10100] =	vst v63  }
0xfe: {  	s15 =	simm.s32 $0xD900  }
0xff: {  	[tilespmem:s15], [sflag:$0x1] =	stream.indirect_vreg.gather [hbm4b:s4+s3], $0x80, v3, vm0, $0xb8;
	[tilespmem:$0x10100] =	vst v63  }
0x100: {  	v3 =	vld [tilespmem:$0xF0];
	_ =	sdelay $0x4  }
0x101: {  	v63 =	vshll.u32 v3, $0x2  }
0x102: {  	v3 =	vand.u32 $0x7, v3;
	v4 =	vand.u32 $0xFFFFFFE0, v63  }
0x103: {  	v3 =	vor.u32 v3, v4  }
0x104: {  	v4 =	vperm.xlane v3, v0;
	_ =	sdelay $0x1  }
0x105: {  	v4 =	vadd.s32 v1, v4;
	_ =	sdelay $0x1  }
0x106: {  	v3 =	vperm.xlane v3, v2;
	_ =	sdelay $0x1  }
0x107: {  	s15 =	simm.s32 $0xE100;
	v3 =	vadd.s32 v1, v3  }
0x108: {  	[tilespmem:s15], [sflag:$0x1] =	stream.indirect_vreg.gather [hbm4b:s1+s3], $0x80, v4, vm0, $0xb8;
	[tilespmem:$0x10100] =	vst v63  }
0x109: {  	s15 =	simm.s32 $0xE900  }
0x10a: {  	[tilespmem:s15], [sflag:$0x1] =	stream.indirect_vreg.gather [hbm4b:s4+s3], $0x80, v4, vm0, $0xb8;
	[tilespmem:$0x10100] =	vst v63  }
0x10b: {  	s15 =	simm.s32 $0xF100  }
0x10c: {  	[tilespmem:s15], [sflag:$0x1] =	stream.indirect_vreg.gather [hbm4b:s1+s3], $0x80, v3, vm0, $0xb8;
	[tilespmem:$0x10100] =	vst v63  }
0x10d: {  	s15 =	simm.s32 $0xF900  }
0x10e: {  	[tilespmem:s15], [sflag:$0x1] =	stream.indirect_vreg.gather [hbm4b:s4+s3], $0x80, v3, vm0, $0xb8;
	[tilespmem:$0x10100] =	vst v63  }
0x10f: {  	_ =	swait.ge [sflag:s14], $0x10000  }
0x110: {  	p0 =	sne.s32 s5, $0x1;
	s0 =	simm.s32 $0x100;
	[sflag:s14] =	ssyncset.done $0x0  }
.Ltmp0:
0x111: {  	s15 =	rddreg [dreg:$0x5];
	[sflag:s14] =	ssyncadd.s32 $0xFFFF0000;
	(pc) =	sbr.rel @p0 .LBB2_1-.Ltmp0, $4  }
0x112: {  	[hbm4b:s15+s3] =	stream.linear.scatter [tilespmem:s0], [sflag:$0x2], $0x10000, $0x38;
	[tilespmem:$0x10100] =	vst v63  }
0x113: {  	_ =	swait.ge [sflag:s6], $0x10000  }
0x114: {  	[sflag:s6] =	ssyncset.done $0x0  }
0x115: {  	s5 =	sadd.s32 $0xFFFFFFFF, s5;
	[sflag:s6] =	ssyncadd.s32 $0xFFFF0000  }
0x116: {  	_ =	sfence.sel $0x180000  }
0x117: {  	[bflag:$0x0] =	sbarrier.arrive $0xFFFF  }
0x118: {  	_ =	strace $0x90000047  }
0x119: {  	s0 =	stileid.u32;
	[bflag:$0x2] =	sbarrier.arrive $0xFFFF  }
0x11a: {  	p0 =	sne.s32 s0, $0x0;
	s0 =	rddreg [dreg:$0x2]  }
0x11b: {  	s0 =	sadd.s32 @!p0 $0x100000, s0  }
0x11c: {  	[sflag:s0] =	ssyncadd.tile.s32 @!p0 $0x1;
	_ =	shalt  }
.Lfunc_end2:
_tile_overlayer_lowered:
.L_overlay_start_2:
0x11d: {  	(tag) =	ssettag $0x2  }
0x11e: {  	s0 =	rddreg [dreg:$0x0];
	s2 =	stileid.u32  }
0x11f: {  	s1 =	rddreg [dreg:$0x1];
	p0 =	sne.s32 s2, $0x0  }
0x120: {  	s3 =	rddreg [dreg:$0x2];
	[bflag:$0x3] =	sbarrier.arrive $0xFFFF;
	s2 =	simm.s32 @!p0 $0x1C02  }
0x121: {  	[timem:s3], [sflag:s2] =	dma.local @!p0 [hbm:s0], s1  }
0x122: {  	s0 =	simm.s32 @!p0 $0x2  }
0x123: {  	_ =	swait.ge @!p0 [sflag:s0], s1  }
0x124: {  	s1 =	ssub.s32 @!p0 $0x0, s1;
	[sflag:s0] =	ssyncset.done @!p0 $0x0  }
0x125: {  	[sflag:s0] =	ssyncadd.s32 @!p0 s1  }
0x126: {  	[bflag:$0x3] =	sbarrier.arrive $0xFFFF  }
0x127: {  	_ =	shalt  }

</sc_bundles>
